<compile_context>
chip_gen: v7x
topology: tpu7x:2x2x1
jax: 0.10.2.dev20260603
libtpu: 0.0.44.dev20260713+nightly
codegen_flags: <defaults>
</compile_context>

<pallas_src>
import jax
import jax.numpy as jnp
from jax import lax
from jax.experimental import pallas as pl
from jax.experimental.pallas import tpu as pltpu
from jax.experimental.pallas import tpu_sc as plsc

B = 8
N = 8192
G = 512
K = 32
GBLK = 512
LANES = 16


def _fps_body(x_hbm, y_hbm, z_hbm, f0_hbm, out_hbm,
              x_v, y_v, z_v, d_v, cx_v, cy_v, cz_v, f0_v):
    b = lax.axis_index("s") * 2 + lax.axis_index("c")

    @pl.when(b < B)
    def _():
        pltpu.sync_copy(x_hbm.at[pl.ds(b, 1)], x_v.at[:, pl.ds(0, N)])
        pltpu.sync_copy(y_hbm.at[pl.ds(b, 1)], y_v.at[:, pl.ds(0, N)])
        pltpu.sync_copy(z_hbm.at[pl.ds(b, 1)], z_v.at[:, pl.ds(0, N)])
        pltpu.sync_copy(f0_hbm, f0_v)

        def init(j, c):
            d_v[0, pl.ds(j * LANES, LANES)] = jnp.full((LANES,), 1e10,
                                                       jnp.float32)
            return c

        lax.fori_loop(0, N // LANES, init, 0, unroll=8)

        iota = lax.iota(jnp.int32, LANES)
        neg = jnp.full((LANES,), -3e38, jnp.float32)
        zero_i = jnp.zeros((LANES,), jnp.int32)

        def put_f(ref, base, lane, val):
            v = ref[0, pl.ds(base, LANES)]
            ref[0, pl.ds(base, LANES)] = jnp.where(iota == lane, val, v)

        def step(s, cur):
            curx = x_v[0, pl.ds(cur, LANES)][0]
            cury = y_v[0, pl.ds(cur, LANES)][0]
            curz = z_v[0, pl.ds(cur, LANES)][0]
            sbase = (s // LANES) * LANES
            slane = s - sbase
            put_f(cx_v, sbase, slane, curx)
            put_f(cy_v, sbase, slane, cury)
            put_f(cz_v, sbase, slane, curz)

            def chunks(i, acc):
                new = []
                for u in range(4):
                    bmax, bidx = acc[2 * u], acc[2 * u + 1]
                    off = i + u * LANES
                    sl = pl.ds(off, LANES)
                    dx = x_v[0, sl] - curx
                    dy = y_v[0, sl] - cury
                    dz = z_v[0, sl] - curz
                    dd = dx * dx + dy * dy + dz * dz
                    dmin = jnp.minimum(d_v[0, sl], dd)
                    d_v[0, sl] = dmin
                    upd = dmin > bmax
                    new.append(jnp.where(upd, dmin, bmax))
                    new.append(jnp.where(upd, iota + off, bidx))
                return tuple(new)

            acc = plsc.parallel_loop(0, N, step=4 * LANES, unroll=2,
                                     carry=(neg, zero_i) * 4)(chunks)

            def merge(a, b2):
                am, ai = a
                bm, bi = b2
                upd = (bm > am) | ((bm == am) & (bi < ai))
                return (jnp.where(upd, bm, am), jnp.where(upd, bi, ai))

            bmax, bidx = merge(merge((acc[0], acc[1]), (acc[2], acc[3])),
                               merge((acc[4], acc[5]), (acc[6], acc[7])))
            sk, _ = plsc.sort_key_val(bmax, bidx, descending=True)
            m = sk[0]
            cand = jnp.where(bmax == m, bidx, jnp.int32(N))
            sc, _ = plsc.sort_key_val(cand, cand)
            return sc[0]

        cur0 = f0_v[0, pl.ds(b, LANES)][0]
        lax.fori_loop(0, G, step, cur0)

        pltpu.sync_copy(cx_v, out_hbm.at[pl.ds(b * 3 + 0, 1)])
        pltpu.sync_copy(cy_v, out_hbm.at[pl.ds(b * 3 + 1, 1)])
        pltpu.sync_copy(cz_v, out_hbm.at[pl.ds(b * 3 + 2, 1)])


def _fps_centers(x, y, z, f0pad):
    mesh = plsc.VectorSubcoreMesh(core_axis_name="c", subcore_axis_name="s",
                                  num_cores=2, num_subcores=16)
    fps = pl.kernel(
        _fps_body,
        out_type=jax.ShapeDtypeStruct((B * 3, G), jnp.float32),
        mesh=mesh,
        scratch_types=[
            pltpu.VMEM((1, N + LANES), jnp.float32),
            pltpu.VMEM((1, N + LANES), jnp.float32),
            pltpu.VMEM((1, N + LANES), jnp.float32),
            pltpu.VMEM((1, N), jnp.float32),
            pltpu.VMEM((1, G), jnp.float32),
            pltpu.VMEM((1, G), jnp.float32),
            pltpu.VMEM((1, G), jnp.float32),
            pltpu.VMEM((1, 2 * LANES), jnp.int32),
        ],
        compiler_params=pltpu.CompilerParams(needs_layout_passes=False),
    )
    return fps(x, y, z, f0pad)


def _group_body(xyz_ref, c_ref, o_ref):
    x = xyz_ref[0, 0:1, :]
    y = xyz_ref[0, 1:2, :]
    z = xyz_ref[0, 2:3, :]
    cx = c_ref[0, :, 0:1]
    cy = c_ref[0, :, 1:2]
    cz = c_ref[0, :, 2:3]

    cmat = c_ref[0]
    xmat = xyz_ref[0]
    prod = jax.lax.dot_general(cmat, xmat, (((1,), (0,)), ((), ())),
                               preferred_element_type=jnp.float32)
    c2 = cx * cx + cy * cy + cz * cz
    p2 = x * x + y * y + z * z
    d = (-2.0 * prod + c2) + p2
    d = jnp.maximum(d, 0.0)
    k = lax.bitcast_convert_type(d, jnp.int32)

    def bs(_, lohi):
        lo, hi = lohi
        mid = lo + lax.shift_right_logical(hi - lo, 1)
        cnt = jnp.sum((k <= mid).astype(jnp.int32), axis=1, keepdims=True)
        ge = cnt >= K
        return (jnp.where(ge, lo, mid + 1), jnp.where(ge, mid, hi))

    lo0 = jnp.zeros((GBLK, 1), jnp.int32)
    hi0 = jnp.full((GBLK, 1), jnp.int32(0x7F7FFFFF))
    _, t = lax.fori_loop(0, 31, bs, (lo0, hi0))

    lt = k < t
    eq = k == t
    c_lt = jnp.sum(lt.astype(jnp.int32), axis=1, keepdims=True)
    m = jnp.sum(eq.astype(jnp.int32), axis=1, keepdims=True)
    w_eq = (K - c_lt).astype(jnp.float32) / m.astype(jnp.float32)
    w = lt.astype(jnp.float32) + w_eq * eq.astype(jnp.float32)

    scale = jnp.float32(1.0 / K)
    o_ref[0, :, 0:1] = jnp.sum(w * x, axis=1, keepdims=True) * scale
    o_ref[0, :, 1:2] = jnp.sum(w * y, axis=1, keepdims=True) * scale
    o_ref[0, :, 2:3] = jnp.sum(w * z, axis=1, keepdims=True) * scale


def _group_mean(xyzT, center):
    return pl.pallas_call(
        _group_body,
        out_shape=jax.ShapeDtypeStruct((B, G, 3), jnp.float32),
        grid=(B, G // GBLK),
        in_specs=[
            pl.BlockSpec((1, 3, N), lambda b, g: (b, 0, 0)),
            pl.BlockSpec((1, GBLK, 3), lambda b, g: (b, g, 0)),
        ],
        out_specs=pl.BlockSpec((1, GBLK, 3), lambda b, g: (b, g, 0)),
        compiler_params=pltpu.CompilerParams(
            dimension_semantics=("parallel", "parallel"),
        ),
    )(xyzT, center)


def kernel(xyz):
    xyzT = jnp.transpose(xyz, (0, 2, 1))
    x = xyzT[:, 0]
    y = xyzT[:, 1]
    z = xyzT[:, 2]
    f0 = jax.random.randint(jax.random.key(1), (B,), 0, N).astype(jnp.int32)
    f0pad = jnp.zeros((1, 2 * LANES), jnp.int32).at[0, :B].set(f0)
    centersT = _fps_centers(x, y, z, f0pad)
    center = jnp.transpose(centersT.reshape(B, 3, G), (0, 2, 1))
    gf = _group_mean(xyzT, center)
    return (center, gf)

# --- scband reference (transcript-rebuilt; emitter-appended) ---
"""Pipeline reference for scband-group-divider-70231305224195 (READ-ONLY COPY).

The authoritative reference and input builder live on the scoring server;
editing this copy changes nothing except your own understanding.
"""

import jax, jax.numpy as jnp
import numpy as np
from jax import lax

NUM_GROUP = 512
GROUP_SIZE = 32


def setup_inputs(seed: int = 0) -> dict:
    key = jax.random.key(seed)
    xyz = jax.random.normal(key, (8, 8192, 3), dtype=jnp.float32)
    return {"xyz": xyz}


def _farthest_point_sample(xyz, npoint):
    B, N, _ = xyz.shape
    batch_idx = jnp.arange(B)
    distance0 = jnp.full((B, N), 1e10, dtype=xyz.dtype)
    farthest0 = jax.random.randint(jax.random.key(1), (B,), 0, N)

    def step(carry, _):
        distance, farthest = carry
        cur = farthest
        centroid = xyz[batch_idx, farthest][:, None, :]
        dist = jnp.sum((xyz - centroid) ** 2, -1)
        distance = jnp.minimum(distance, dist)
        farthest = jnp.argmax(distance, -1)
        return (distance, farthest), cur

    _, cents = lax.scan(step, (distance0, farthest0), None, length=npoint)
    return jnp.transpose(cents)  # (B, npoint)


def _index_points(points, idx):
    B = points.shape[0]
    C = points.shape[-1]
    idx_flat = idx.reshape(B, -1)
    gathered = jnp.take_along_axis(points, idx_flat[..., None], axis=1)
    return gathered.reshape(*idx.shape, C)


def _square_distance(src, dst):
    dist = -2.0 * jnp.matmul(src, jnp.swapaxes(dst, 1, 2))
    dist = dist + jnp.sum(src ** 2, axis=-1)[..., None]
    dist = dist + jnp.sum(dst ** 2, axis=-1)[:, None, :]
    return dist


def reference(xyz):
    fps_idx = _farthest_point_sample(xyz, NUM_GROUP)          # (B, G) int
    center = _index_points(xyz, fps_idx)                      # (B, G, 3)
    dists = _square_distance(center, xyz)                     # (B, G, N)
    group_idx = jnp.argsort(dists, axis=-1)[..., :GROUP_SIZE] # (B, G, K)
    grouped_xyz = _index_points(xyz, group_idx)               # (B, G, K, 3)
    group_feature = grouped_xyz.mean(axis=2)                  # (B, G, 3)
    return (center, group_feature)

if __name__ == "__main__":
    import jax
    _d = setup_inputs()
    print(jax.jit(kernel)(*tuple(_d.values())))

</pallas_src>

<mosaic_0001>
#map = affine_map<(d0, d1) -> (0, 0)>
module attributes {stable_mosaic.version = 14 : i64} {
  func.func @_fps_body(%arg0: i32, %arg1: i32, %arg2: memref<8x8192xf32, #tpu.memory_space<hbm>>, %arg3: memref<8x8192xf32, #tpu.memory_space<hbm>>, %arg4: memref<8x8192xf32, #tpu.memory_space<hbm>>, %arg5: memref<1x32xi32, #tpu.memory_space<hbm>>, %arg6: memref<24x512xf32, #tpu.memory_space<hbm>>, %arg7: memref<1x8208xf32, #tpu.memory_space<vmem>>, %arg8: memref<1x8208xf32, #tpu.memory_space<vmem>>, %arg9: memref<1x8208xf32, #tpu.memory_space<vmem>>, %arg10: memref<1x8192xf32, #tpu.memory_space<vmem>>, %arg11: memref<1x512xf32, #tpu.memory_space<vmem>>, %arg12: memref<1x512xf32, #tpu.memory_space<vmem>>, %arg13: memref<1x512xf32, #tpu.memory_space<vmem>>, %arg14: memref<1x32xi32, #tpu.memory_space<vmem>>) attributes {dimension_semantics = [#tpu.dimension_semantics<core_parallel>, #tpu.dimension_semantics<subcore_parallel>], iteration_bounds = array<i64: 2, 16>, scalar_prefetch = 0 : i64, scratch_operands = 8 : i64, tpu.core_type = #tpu.core_type<sc_vector_subcore>, window_params = [{transform_indices = #map}, {transform_indices = #map}, {transform_indices = #map}, {transform_indices = #map}, {transform_indices = #map}]} {
    %mul3A = arith.constant 2 : i32
    %mul3A_0 = arith.muli %arg1, %mul3A : i32
    %add3A = arith.addi %mul3A_0, %arg0 : i32
    %lt3A = arith.constant 8 : i32
    %lt3A_1 = arith.cmpi slt, %add3A, %lt3A : i32
    %convert_element_type3A = arith.extui %lt3A_1 : i1 to i32
    %cond3A = arith.constant 0 : i32
    %cond3A_2 = arith.cmpi ne, %convert_element_type3A, %cond3A : i32
    scf.if %cond3A_2 {
      "tpu.region"() ({
        %run_scoped3A = tpu.sem_alloc : memref<!tpu.dma_semaphore, #tpu.memory_space<semaphore_mem>>
        %dma_start3A = arith.constant 0 : i32
        %dma_start3A_32 = arith.constant 0 : i32
        %dma_start3A_33 = tpu.memref_slice %arg7[%dma_start3A, %dma_start3A_32] : memref<1x8208xf32, #tpu.memory_space<vmem>> -> memref<1x8192xf32, #tpu.memory_space<vmem>>
        %dma_start3A_34 = arith.constant 0 : i32
        %dma_start3A_35 = tpu.memref_slice %arg2[%add3A, %dma_start3A_34] : memref<8x8192xf32, #tpu.memory_space<hbm>> -> memref<1x8192xf32, #tpu.memory_space<hbm>>
        %dma_start3A_36 = arith.constant 0 : i32
        %dma_start3A_37 = arith.constant 0 : i32
        %dma_start3A_38 = tpu.memref_slice %arg7[%dma_start3A_36, %dma_start3A_37] : memref<1x8208xf32, #tpu.memory_space<vmem>> -> memref<1x8192xf32, #tpu.memory_space<vmem>>
        %dma_start3A_39 = arith.constant 0 : i32
        %dma_start3A_40 = tpu.memref_slice %arg2[%add3A, %dma_start3A_39] : memref<8x8192xf32, #tpu.memory_space<hbm>> -> memref<1x8192xf32, #tpu.memory_space<hbm>>
        tpu.enqueue_dma source(%dma_start3A_40 : memref<1x8192xf32, #tpu.memory_space<hbm>>) target(%dma_start3A_38 : memref<1x8192xf32, #tpu.memory_space<vmem>>) target_semaphore(%run_scoped3A : memref<!tpu.dma_semaphore, #tpu.memory_space<semaphore_mem>>)
        %dma_wait3A = arith.constant 0 : i32
        %dma_wait3A_41 = arith.constant 0 : i32
        %dma_wait3A_42 = tpu.memref_slice %arg7[%dma_wait3A, %dma_wait3A_41] : memref<1x8208xf32, #tpu.memory_space<vmem>> -> memref<1x8192xf32, #tpu.memory_space<vmem>>
        %dma_wait3A_43 = arith.constant 0 : i32
        %dma_wait3A_44 = tpu.memref_slice %arg2[%add3A, %dma_wait3A_43] : memref<8x8192xf32, #tpu.memory_space<hbm>> -> memref<1x8192xf32, #tpu.memory_space<hbm>>
        %dma_wait3A_45 = arith.constant 0 : i32
        %dma_wait3A_46 = arith.constant 0 : i32
        %dma_wait3A_47 = tpu.memref_slice %arg7[%dma_wait3A_45, %dma_wait3A_46] : memref<1x8208xf32, #tpu.memory_space<vmem>> -> memref<1x8192xf32, #tpu.memory_space<vmem>>
        %dma_wait3A_48 = arith.constant 0 : i32
        %dma_wait3A_49 = tpu.memref_slice %arg2[%add3A, %dma_wait3A_48] : memref<8x8192xf32, #tpu.memory_space<hbm>> -> memref<1x8192xf32, #tpu.memory_space<hbm>>
        tpu.wait_dma2 semaphore(%run_scoped3A : memref<!tpu.dma_semaphore, #tpu.memory_space<semaphore_mem>>) src(%dma_wait3A_49 : memref<1x8192xf32, #tpu.memory_space<hbm>>) dst(%dma_wait3A_47 : memref<1x8192xf32, #tpu.memory_space<vmem>>)
        tpu.yield
      }) : () -> ()
      "tpu.region"() ({
        %run_scoped3A = tpu.sem_alloc : memref<!tpu.dma_semaphore, #tpu.memory_space<semaphore_mem>>
        %dma_start3A = arith.constant 0 : i32
        %dma_start3A_32 = arith.constant 0 : i32
        %dma_start3A_33 = tpu.memref_slice %arg8[%dma_start3A, %dma_start3A_32] : memref<1x8208xf32, #tpu.memory_space<vmem>> -> memref<1x8192xf32, #tpu.memory_space<vmem>>
        %dma_start3A_34 = arith.constant 0 : i32
        %dma_start3A_35 = tpu.memref_slice %arg3[%add3A, %dma_start3A_34] : memref<8x8192xf32, #tpu.memory_space<hbm>> -> memref<1x8192xf32, #tpu.memory_space<hbm>>
        %dma_start3A_36 = arith.constant 0 : i32
        %dma_start3A_37 = arith.constant 0 : i32
        %dma_start3A_38 = tpu.memref_slice %arg8[%dma_start3A_36, %dma_start3A_37] : memref<1x8208xf32, #tpu.memory_space<vmem>> -> memref<1x8192xf32, #tpu.memory_space<vmem>>
        %dma_start3A_39 = arith.constant 0 : i32
        %dma_start3A_40 = tpu.memref_slice %arg3[%add3A, %dma_start3A_39] : memref<8x8192xf32, #tpu.memory_space<hbm>> -> memref<1x8192xf32, #tpu.memory_space<hbm>>
        tpu.enqueue_dma source(%dma_start3A_40 : memref<1x8192xf32, #tpu.memory_space<hbm>>) target(%dma_start3A_38 : memref<1x8192xf32, #tpu.memory_space<vmem>>) target_semaphore(%run_scoped3A : memref<!tpu.dma_semaphore, #tpu.memory_space<semaphore_mem>>)
        %dma_wait3A = arith.constant 0 : i32
        %dma_wait3A_41 = arith.constant 0 : i32
        %dma_wait3A_42 = tpu.memref_slice %arg8[%dma_wait3A, %dma_wait3A_41] : memref<1x8208xf32, #tpu.memory_space<vmem>> -> memref<1x8192xf32, #tpu.memory_space<vmem>>
        %dma_wait3A_43 = arith.constant 0 : i32
        %dma_wait3A_44 = tpu.memref_slice %arg3[%add3A, %dma_wait3A_43] : memref<8x8192xf32, #tpu.memory_space<hbm>> -> memref<1x8192xf32, #tpu.memory_space<hbm>>
        %dma_wait3A_45 = arith.constant 0 : i32
        %dma_wait3A_46 = arith.constant 0 : i32
        %dma_wait3A_47 = tpu.memref_slice %arg8[%dma_wait3A_45, %dma_wait3A_46] : memref<1x8208xf32, #tpu.memory_space<vmem>> -> memref<1x8192xf32, #tpu.memory_space<vmem>>
        %dma_wait3A_48 = arith.constant 0 : i32
        %dma_wait3A_49 = tpu.memref_slice %arg3[%add3A, %dma_wait3A_48] : memref<8x8192xf32, #tpu.memory_space<hbm>> -> memref<1x8192xf32, #tpu.memory_space<hbm>>
        tpu.wait_dma2 semaphore(%run_scoped3A : memref<!tpu.dma_semaphore, #tpu.memory_space<semaphore_mem>>) src(%dma_wait3A_49 : memref<1x8192xf32, #tpu.memory_space<hbm>>) dst(%dma_wait3A_47 : memref<1x8192xf32, #tpu.memory_space<vmem>>)
        tpu.yield
      }) : () -> ()
      "tpu.region"() ({
        %run_scoped3A = tpu.sem_alloc : memref<!tpu.dma_semaphore, #tpu.memory_space<semaphore_mem>>
        %dma_start3A = arith.constant 0 : i32
        %dma_start3A_32 = arith.constant 0 : i32
        %dma_start3A_33 = tpu.memref_slice %arg9[%dma_start3A, %dma_start3A_32] : memref<1x8208xf32, #tpu.memory_space<vmem>> -> memref<1x8192xf32, #tpu.memory_space<vmem>>
        %dma_start3A_34 = arith.constant 0 : i32
        %dma_start3A_35 = tpu.memref_slice %arg4[%add3A, %dma_start3A_34] : memref<8x8192xf32, #tpu.memory_space<hbm>> -> memref<1x8192xf32, #tpu.memory_space<hbm>>
        %dma_start3A_36 = arith.constant 0 : i32
        %dma_start3A_37 = arith.constant 0 : i32
        %dma_start3A_38 = tpu.memref_slice %arg9[%dma_start3A_36, %dma_start3A_37] : memref<1x8208xf32, #tpu.memory_space<vmem>> -> memref<1x8192xf32, #tpu.memory_space<vmem>>
        %dma_start3A_39 = arith.constant 0 : i32
        %dma_start3A_40 = tpu.memref_slice %arg4[%add3A, %dma_start3A_39] : memref<8x8192xf32, #tpu.memory_space<hbm>> -> memref<1x8192xf32, #tpu.memory_space<hbm>>
        tpu.enqueue_dma source(%dma_start3A_40 : memref<1x8192xf32, #tpu.memory_space<hbm>>) target(%dma_start3A_38 : memref<1x8192xf32, #tpu.memory_space<vmem>>) target_semaphore(%run_scoped3A : memref<!tpu.dma_semaphore, #tpu.memory_space<semaphore_mem>>)
        %dma_wait3A = arith.constant 0 : i32
        %dma_wait3A_41 = arith.constant 0 : i32
        %dma_wait3A_42 = tpu.memref_slice %arg9[%dma_wait3A, %dma_wait3A_41] : memref<1x8208xf32, #tpu.memory_space<vmem>> -> memref<1x8192xf32, #tpu.memory_space<vmem>>
        %dma_wait3A_43 = arith.constant 0 : i32
        %dma_wait3A_44 = tpu.memref_slice %arg4[%add3A, %dma_wait3A_43] : memref<8x8192xf32, #tpu.memory_space<hbm>> -> memref<1x8192xf32, #tpu.memory_space<hbm>>
        %dma_wait3A_45 = arith.constant 0 : i32
        %dma_wait3A_46 = arith.constant 0 : i32
        %dma_wait3A_47 = tpu.memref_slice %arg9[%dma_wait3A_45, %dma_wait3A_46] : memref<1x8208xf32, #tpu.memory_space<vmem>> -> memref<1x8192xf32, #tpu.memory_space<vmem>>
        %dma_wait3A_48 = arith.constant 0 : i32
        %dma_wait3A_49 = tpu.memref_slice %arg4[%add3A, %dma_wait3A_48] : memref<8x8192xf32, #tpu.memory_space<hbm>> -> memref<1x8192xf32, #tpu.memory_space<hbm>>
        tpu.wait_dma2 semaphore(%run_scoped3A : memref<!tpu.dma_semaphore, #tpu.memory_space<semaphore_mem>>) src(%dma_wait3A_49 : memref<1x8192xf32, #tpu.memory_space<hbm>>) dst(%dma_wait3A_47 : memref<1x8192xf32, #tpu.memory_space<vmem>>)
        tpu.yield
      }) : () -> ()
      "tpu.region"() ({
        %run_scoped3A = tpu.sem_alloc : memref<!tpu.dma_semaphore, #tpu.memory_space<semaphore_mem>>
        tpu.enqueue_dma source(%arg5 : memref<1x32xi32, #tpu.memory_space<hbm>>) target(%arg14 : memref<1x32xi32, #tpu.memory_space<vmem>>) target_semaphore(%run_scoped3A : memref<!tpu.dma_semaphore, #tpu.memory_space<semaphore_mem>>)
        tpu.wait_dma2 semaphore(%run_scoped3A : memref<!tpu.dma_semaphore, #tpu.memory_space<semaphore_mem>>) src(%arg5 : memref<1x32xi32, #tpu.memory_space<hbm>>) dst(%arg14 : memref<1x32xi32, #tpu.memory_space<vmem>>)
        tpu.yield
      }) : () -> ()
      %scan3A = arith.constant 0 : i32
      %scan3A_3 = arith.constant 0 : i32
      %scan3A_4 = arith.constant 512 : i32
      %scan3A_5 = arith.addi %scan3A_3, %scan3A_4 : i32
      %scan3A_6 = arith.constant 8 : i32
      scf.for %scan3A_32 = %scan3A_3 to %scan3A_5 step %scan3A_6  : i32 {
        %broadcast_in_dim3A_33 = arith.constant 1.000000e+10 : f32
        %broadcast_in_dim3A_34 = vector.broadcast %broadcast_in_dim3A_33 : f32 to vector<16xf32>
        %mul3A_35 = arith.constant 16 : i32
        %mul3A_36 = arith.muli %scan3A_32, %mul3A_35 : i32
        %swap3A = arith.constant 0 : i32
        %swap3A_37 = arith.index_cast %swap3A : i32 to index
        %swap3A_38 = arith.index_cast %mul3A_36 : i32 to index
        %swap3A_39 = tpu.vector_load %arg10[%swap3A_37, %swap3A_38] {strides = array<i32>} : memref<1x8192xf32, #tpu.memory_space<vmem>>, vector<16xf32>,
        tpu.vector_store %arg10[%swap3A_37, %swap3A_38], %broadcast_in_dim3A_34 {strides = array<i32>} : memref<1x8192xf32, #tpu.memory_space<vmem>>, vector<16xf32>,
        %scan3A_40 = arith.constant 1 : i32
        %scan3A_41 = arith.addi %scan3A_32, %scan3A_40 : i32
        %broadcast_in_dim3A_42 = arith.constant 1.000000e+10 : f32
        %broadcast_in_dim3A_43 = vector.broadcast %broadcast_in_dim3A_42 : f32 to vector<16xf32>
        %mul3A_44 = arith.constant 16 : i32
        %mul3A_45 = arith.muli %scan3A_41, %mul3A_44 : i32
        %swap3A_46 = arith.constant 0 : i32
        %swap3A_47 = arith.index_cast %swap3A_46 : i32 to index
        %swap3A_48 = arith.index_cast %mul3A_45 : i32 to index
        %swap3A_49 = tpu.vector_load %arg10[%swap3A_47, %swap3A_48] {strides = array<i32>} : memref<1x8192xf32, #tpu.memory_space<vmem>>, vector<16xf32>,
        tpu.vector_store %arg10[%swap3A_47, %swap3A_48], %broadcast_in_dim3A_43 {strides = array<i32>} : memref<1x8192xf32, #tpu.memory_space<vmem>>, vector<16xf32>,
        %scan3A_50 = arith.constant 2 : i32
        %scan3A_51 = arith.addi %scan3A_32, %scan3A_50 : i32
        %broadcast_in_dim3A_52 = arith.constant 1.000000e+10 : f32
        %broadcast_in_dim3A_53 = vector.broadcast %broadcast_in_dim3A_52 : f32 to vector<16xf32>
        %mul3A_54 = arith.constant 16 : i32
        %mul3A_55 = arith.muli %scan3A_51, %mul3A_54 : i32
        %swap3A_56 = arith.constant 0 : i32
        %swap3A_57 = arith.index_cast %swap3A_56 : i32 to index
        %swap3A_58 = arith.index_cast %mul3A_55 : i32 to index
        %swap3A_59 = tpu.vector_load %arg10[%swap3A_57, %swap3A_58] {strides = array<i32>} : memref<1x8192xf32, #tpu.memory_space<vmem>>, vector<16xf32>,
        tpu.vector_store %arg10[%swap3A_57, %swap3A_58], %broadcast_in_dim3A_53 {strides = array<i32>} : memref<1x8192xf32, #tpu.memory_space<vmem>>, vector<16xf32>,
        %scan3A_60 = arith.constant 3 : i32
        %scan3A_61 = arith.addi %scan3A_32, %scan3A_60 : i32
        %broadcast_in_dim3A_62 = arith.constant 1.000000e+10 : f32
        %broadcast_in_dim3A_63 = vector.broadcast %broadcast_in_dim3A_62 : f32 to vector<16xf32>
        %mul3A_64 = arith.constant 16 : i32
        %mul3A_65 = arith.muli %scan3A_61, %mul3A_64 : i32
        %swap3A_66 = arith.constant 0 : i32
        %swap3A_67 = arith.index_cast %swap3A_66 : i32 to index
        %swap3A_68 = arith.index_cast %mul3A_65 : i32 to index
        %swap3A_69 = tpu.vector_load %arg10[%swap3A_67, %swap3A_68] {strides = array<i32>} : memref<1x8192xf32, #tpu.memory_space<vmem>>, vector<16xf32>,
        tpu.vector_store %arg10[%swap3A_67, %swap3A_68], %broadcast_in_dim3A_63 {strides = array<i32>} : memref<1x8192xf32, #tpu.memory_space<vmem>>, vector<16xf32>,
        %scan3A_70 = arith.constant 4 : i32
        %scan3A_71 = arith.addi %scan3A_32, %scan3A_70 : i32
        %broadcast_in_dim3A_72 = arith.constant 1.000000e+10 : f32
        %broadcast_in_dim3A_73 = vector.broadcast %broadcast_in_dim3A_72 : f32 to vector<16xf32>
        %mul3A_74 = arith.constant 16 : i32
        %mul3A_75 = arith.muli %scan3A_71, %mul3A_74 : i32
        %swap3A_76 = arith.constant 0 : i32
        %swap3A_77 = arith.index_cast %swap3A_76 : i32 to index
        %swap3A_78 = arith.index_cast %mul3A_75 : i32 to index
        %swap3A_79 = tpu.vector_load %arg10[%swap3A_77, %swap3A_78] {strides = array<i32>} : memref<1x8192xf32, #tpu.memory_space<vmem>>, vector<16xf32>,
        tpu.vector_store %arg10[%swap3A_77, %swap3A_78], %broadcast_in_dim3A_73 {strides = array<i32>} : memref<1x8192xf32, #tpu.memory_space<vmem>>, vector<16xf32>,
        %scan3A_80 = arith.constant 5 : i32
        %scan3A_81 = arith.addi %scan3A_32, %scan3A_80 : i32
        %broadcast_in_dim3A_82 = arith.constant 1.000000e+10 : f32
        %broadcast_in_dim3A_83 = vector.broadcast %broadcast_in_dim3A_82 : f32 to vector<16xf32>
        %mul3A_84 = arith.constant 16 : i32
        %mul3A_85 = arith.muli %scan3A_81, %mul3A_84 : i32
        %swap3A_86 = arith.constant 0 : i32
        %swap3A_87 = arith.index_cast %swap3A_86 : i32 to index
        %swap3A_88 = arith.index_cast %mul3A_85 : i32 to index
        %swap3A_89 = tpu.vector_load %arg10[%swap3A_87, %swap3A_88] {strides = array<i32>} : memref<1x8192xf32, #tpu.memory_space<vmem>>, vector<16xf32>,
        tpu.vector_store %arg10[%swap3A_87, %swap3A_88], %broadcast_in_dim3A_83 {strides = array<i32>} : memref<1x8192xf32, #tpu.memory_space<vmem>>, vector<16xf32>,
        %scan3A_90 = arith.constant 6 : i32
        %scan3A_91 = arith.addi %scan3A_32, %scan3A_90 : i32
        %broadcast_in_dim3A_92 = arith.constant 1.000000e+10 : f32
        %broadcast_in_dim3A_93 = vector.broadcast %broadcast_in_dim3A_92 : f32 to vector<16xf32>
        %mul3A_94 = arith.constant 16 : i32
        %mul3A_95 = arith.muli %scan3A_91, %mul3A_94 : i32
        %swap3A_96 = arith.constant 0 : i32
        %swap3A_97 = arith.index_cast %swap3A_96 : i32 to index
        %swap3A_98 = arith.index_cast %mul3A_95 : i32 to index
        %swap3A_99 = tpu.vector_load %arg10[%swap3A_97, %swap3A_98] {strides = array<i32>} : memref<1x8192xf32, #tpu.memory_space<vmem>>, vector<16xf32>,
        tpu.vector_store %arg10[%swap3A_97, %swap3A_98], %broadcast_in_dim3A_93 {strides = array<i32>} : memref<1x8192xf32, #tpu.memory_space<vmem>>, vector<16xf32>,
        %scan3A_100 = arith.constant 7 : i32
        %scan3A_101 = arith.addi %scan3A_32, %scan3A_100 : i32
        %broadcast_in_dim3A_102 = arith.constant 1.000000e+10 : f32
        %broadcast_in_dim3A_103 = vector.broadcast %broadcast_in_dim3A_102 : f32 to vector<16xf32>
        %mul3A_104 = arith.constant 16 : i32
        %mul3A_105 = arith.muli %scan3A_101, %mul3A_104 : i32
        %swap3A_106 = arith.constant 0 : i32
        %swap3A_107 = arith.index_cast %swap3A_106 : i32 to index
        %swap3A_108 = arith.index_cast %mul3A_105 : i32 to index
        %swap3A_109 = tpu.vector_load %arg10[%swap3A_107, %swap3A_108] {strides = array<i32>} : memref<1x8192xf32, #tpu.memory_space<vmem>>, vector<16xf32>,
        tpu.vector_store %arg10[%swap3A_107, %swap3A_108], %broadcast_in_dim3A_103 {strides = array<i32>} : memref<1x8192xf32, #tpu.memory_space<vmem>>, vector<16xf32>,
      }
      %scan3A_7 = arith.constant 512 : i32
      %iota3A = tpu.iota {dimensions = array<i32: 0>} : vector<16xi32>
      %broadcast_in_dim3A = arith.constant -3.000000e+38 : f32
      %broadcast_in_dim3A_8 = vector.broadcast %broadcast_in_dim3A : f32 to vector<16xf32>
      %broadcast_in_dim3A_9 = arith.constant 0 : i32
      %broadcast_in_dim3A_10 = vector.broadcast %broadcast_in_dim3A_9 : i32 to vector<16xi32>
      %get3A = arith.constant 0 : i32
      %get3A_11 = arith.index_cast %get3A : i32 to index
      %get3A_12 = arith.index_cast %add3A : i32 to index
      %get3A_13 = tpu.vector_load %arg14[%get3A_11, %get3A_12] {strides = array<i32>} : memref<1x32xi32, #tpu.memory_space<vmem>>, vector<16xi32>,
      %slice3A = vector.extract_strided_slice %get3A_13 {offsets = [0], sizes = [1], strides = [1]} : vector<16xi32> to vector<1xi32>
      %squeeze3A = vector.extract %slice3A[0] : i32 from vector<1xi32>
      %scan3A_14 = arith.constant 0 : i32
      %scan3A_15 = arith.constant 512 : i32
      %scan3A_16 = arith.addi %scan3A_14, %scan3A_15 : i32
      %scan3A_17 = arith.constant 1 : i32
      %scan3A_18 = scf.for %scan3A_32 = %scan3A_14 to %scan3A_16 step %scan3A_17 iter_args(%scan3A_33 = %squeeze3A) -> (i32)  : i32 {
        %get3A_34 = arith.constant 0 : i32
        %get3A_35 = arith.index_cast %get3A_34 : i32 to index
        %get3A_36 = arith.index_cast %scan3A_33 : i32 to index
        %get3A_37 = tpu.vector_load %arg7[%get3A_35, %get3A_36] {strides = array<i32>} : memref<1x8208xf32, #tpu.memory_space<vmem>>, vector<16xf32>,
        %slice3A_38 = vector.extract_strided_slice %get3A_37 {offsets = [0], sizes = [1], strides = [1]} : vector<16xf32> to vector<1xf32>
        %squeeze3A_39 = vector.extract %slice3A_38[0] : f32 from vector<1xf32>
        %get3A_40 = arith.constant 0 : i32
        %get3A_41 = arith.index_cast %get3A_40 : i32 to index
        %get3A_42 = arith.index_cast %scan3A_33 : i32 to index
        %get3A_43 = tpu.vector_load %arg8[%get3A_41, %get3A_42] {strides = array<i32>} : memref<1x8208xf32, #tpu.memory_space<vmem>>, vector<16xf32>,
        %slice3A_44 = vector.extract_strided_slice %get3A_43 {offsets = [0], sizes = [1], strides = [1]} : vector<16xf32> to vector<1xf32>
        %squeeze3A_45 = vector.extract %slice3A_44[0] : f32 from vector<1xf32>
        %get3A_46 = arith.constant 0 : i32
        %get3A_47 = arith.index_cast %get3A_46 : i32 to index
        %get3A_48 = arith.index_cast %scan3A_33 : i32 to index
        %get3A_49 = tpu.vector_load %arg9[%get3A_47, %get3A_48] {strides = array<i32>} : memref<1x8208xf32, #tpu.memory_space<vmem>>, vector<16xf32>,
        %slice3A_50 = vector.extract_strided_slice %get3A_49 {offsets = [0], sizes = [1], strides = [1]} : vector<16xf32> to vector<1xf32>
        %squeeze3A_51 = vector.extract %slice3A_50[0] : f32 from vector<1xf32>
        %jit3A = arith.constant 16 : i32
        %div3A = arith.divsi %scan3A_32, %jit3A : i32
        %sign3A = arith.constant 0 : i32
        %sign3A_52 = arith.cmpi sgt, %scan3A_32, %sign3A : i32
        %sign3A_53 = arith.extui %sign3A_52 : i1 to i32
        %sign3A_54 = arith.constant 0 : i32
        %sign3A_55 = arith.cmpi slt, %scan3A_32, %sign3A_54 : i32
        %sign3A_56 = arith.extui %sign3A_55 : i1 to i32
        %sign3A_57 = arith.subi %sign3A_53, %sign3A_56 : i32
        %sign3A_58 = arith.constant 0 : i32
        %sign3A_59 = arith.cmpi sgt, %jit3A, %sign3A_58 : i32
        %sign3A_60 = arith.extui %sign3A_59 : i1 to i32
        %sign3A_61 = arith.constant 0 : i32
        %sign3A_62 = arith.cmpi slt, %jit3A, %sign3A_61 : i32
        %sign3A_63 = arith.extui %sign3A_62 : i1 to i32
        %sign3A_64 = arith.subi %sign3A_60, %sign3A_63 : i32
        %ne3A = arith.cmpi ne, %sign3A_57, %sign3A_64 : i32
        %rem3A = arith.remsi %scan3A_32, %jit3A : i32
        %ne3A_65 = arith.constant 0 : i32
        %ne3A_66 = arith.cmpi ne, %rem3A, %ne3A_65 : i32
        %and3A = arith.andi %ne3A, %ne3A_66 : i1
        %sub3A = arith.constant 1 : i32
        %sub3A_67 = arith.subi %div3A, %sub3A : i32
        %select_n3A = arith.select %and3A, %sub3A_67, %div3A : i32
        %mul3A_68 = arith.constant 16 : i32
        %mul3A_69 = arith.muli %select_n3A, %mul3A_68 : i32
        %sub3A_70 = arith.subi %scan3A_32, %mul3A_69 : i32
        %get3A_71 = arith.constant 0 : i32
        %get3A_72 = arith.index_cast %get3A_71 : i32 to index
        %get3A_73 = arith.index_cast %mul3A_69 : i32 to index
        %get3A_74 = tpu.vector_load %arg11[%get3A_72, %get3A_73] {strides = array<i32>} : memref<1x512xf32, #tpu.memory_space<vmem>>, vector<16xf32>,
        %eq3A = vector.broadcast %sub3A_70 : i32 to vector<16xi32>
        %eq3A_75 = arith.cmpi eq, %iota3A, %eq3A : vector<16xi32>
        %broadcast_in_dim3A_76 = vector.broadcast %squeeze3A_39 : f32 to vector<16xf32>
        %select_n3A_77 = arith.select %eq3A_75, %broadcast_in_dim3A_76, %get3A_74 : vector<16xi1>, vector<16xf32>
        %swap3A = arith.constant 0 : i32
        %swap3A_78 = arith.index_cast %swap3A : i32 to index
        %swap3A_79 = arith.index_cast %mul3A_69 : i32 to index
        %swap3A_80 = tpu.vector_load %arg11[%swap3A_78, %swap3A_79] {strides = array<i32>} : memref<1x512xf32, #tpu.memory_space<vmem>>, vector<16xf32>,
        tpu.vector_store %arg11[%swap3A_78, %swap3A_79], %select_n3A_77 {strides = array<i32>} : memref<1x512xf32, #tpu.memory_space<vmem>>, vector<16xf32>,
        %get3A_81 = arith.constant 0 : i32
        %get3A_82 = arith.index_cast %get3A_81 : i32 to index
        %get3A_83 = arith.index_cast %mul3A_69 : i32 to index
        %get3A_84 = tpu.vector_load %arg12[%get3A_82, %get3A_83] {strides = array<i32>} : memref<1x512xf32, #tpu.memory_space<vmem>>, vector<16xf32>,
        %eq3A_85 = vector.broadcast %sub3A_70 : i32 to vector<16xi32>
        %eq3A_86 = arith.cmpi eq, %iota3A, %eq3A_85 : vector<16xi32>
        %broadcast_in_dim3A_87 = vector.broadcast %squeeze3A_45 : f32 to vector<16xf32>
        %select_n3A_88 = arith.select %eq3A_86, %broadcast_in_dim3A_87, %get3A_84 : vector<16xi1>, vector<16xf32>
        %swap3A_89 = arith.constant 0 : i32
        %swap3A_90 = arith.index_cast %swap3A_89 : i32 to index
        %swap3A_91 = arith.index_cast %mul3A_69 : i32 to index
        %swap3A_92 = tpu.vector_load %arg12[%swap3A_90, %swap3A_91] {strides = array<i32>} : memref<1x512xf32, #tpu.memory_space<vmem>>, vector<16xf32>,
        tpu.vector_store %arg12[%swap3A_90, %swap3A_91], %select_n3A_88 {strides = array<i32>} : memref<1x512xf32, #tpu.memory_space<vmem>>, vector<16xf32>,
        %get3A_93 = arith.constant 0 : i32
        %get3A_94 = arith.index_cast %get3A_93 : i32 to index
        %get3A_95 = arith.index_cast %mul3A_69 : i32 to index
        %get3A_96 = tpu.vector_load %arg13[%get3A_94, %get3A_95] {strides = array<i32>} : memref<1x512xf32, #tpu.memory_space<vmem>>, vector<16xf32>,
        %eq3A_97 = vector.broadcast %sub3A_70 : i32 to vector<16xi32>
        %eq3A_98 = arith.cmpi eq, %iota3A, %eq3A_97 : vector<16xi32>
        %broadcast_in_dim3A_99 = vector.broadcast %squeeze3A_51 : f32 to vector<16xf32>
        %select_n3A_100 = arith.select %eq3A_98, %broadcast_in_dim3A_99, %get3A_96 : vector<16xi1>, vector<16xf32>
        %swap3A_101 = arith.constant 0 : i32
        %swap3A_102 = arith.index_cast %swap3A_101 : i32 to index
        %swap3A_103 = arith.index_cast %mul3A_69 : i32 to index
        %swap3A_104 = tpu.vector_load %arg13[%swap3A_102, %swap3A_103] {strides = array<i32>} : memref<1x512xf32, #tpu.memory_space<vmem>>, vector<16xf32>,
        tpu.vector_store %arg13[%swap3A_102, %swap3A_103], %select_n3A_100 {strides = array<i32>} : memref<1x512xf32, #tpu.memory_space<vmem>>, vector<16xf32>,
        %parallel_loop3A = arith.constant 0 : i32
        %parallel_loop3A_105 = arith.constant 8192 : i32
        %parallel_loop3A_106 = arith.constant 64 : i32
        %parallel_loop3A_107:8 = scf.for %parallel_loop3A_147 = %parallel_loop3A to %parallel_loop3A_105 step %parallel_loop3A_106 iter_args(%parallel_loop3A_148 = %broadcast_in_dim3A_8, %parallel_loop3A_149 = %broadcast_in_dim3A_10, %parallel_loop3A_150 = %broadcast_in_dim3A_8, %parallel_loop3A_151 = %broadcast_in_dim3A_10, %parallel_loop3A_152 = %broadcast_in_dim3A_8, %parallel_loop3A_153 = %broadcast_in_dim3A_10, %parallel_loop3A_154 = %broadcast_in_dim3A_8, %parallel_loop3A_155 = %broadcast_in_dim3A_10) -> (vector<16xf32>, vector<16xi32>, vector<16xf32>, vector<16xi32>, vector<16xf32>, vector<16xi32>, vector<16xf32>, vector<16xi32>)  : i32 {
          %parallel_loop3A_156 = arith.constant 0 : i32
          %parallel_loop3A_157 = arith.addi %parallel_loop3A_147, %parallel_loop3A_156 : i32
          %parallel_loop3A_158 = arith.constant 0 : i32
          %parallel_loop3A_159 = arith.index_cast %parallel_loop3A_158 : i32 to index
          %parallel_loop3A_160 = arith.index_cast %parallel_loop3A_157 : i32 to index
          %parallel_loop3A_161 = tpu.vector_load %arg7[%parallel_loop3A_159, %parallel_loop3A_160] {strides = array<i32>} : memref<1x8208xf32, #tpu.memory_space<vmem>>, vector<16xf32>,
          %parallel_loop3A_162 = vector.broadcast %squeeze3A_39 : f32 to vector<16xf32>
          %parallel_loop3A_163 = arith.subf %parallel_loop3A_161, %parallel_loop3A_162 : vector<16xf32>
          %parallel_loop3A_164 = arith.constant 0 : i32
          %parallel_loop3A_165 = arith.index_cast %parallel_loop3A_164 : i32 to index
          %parallel_loop3A_166 = arith.index_cast %parallel_loop3A_157 : i32 to index
          %parallel_loop3A_167 = tpu.vector_load %arg8[%parallel_loop3A_165, %parallel_loop3A_166] {strides = array<i32>} : memref<1x8208xf32, #tpu.memory_space<vmem>>, vector<16xf32>,
          %parallel_loop3A_168 = vector.broadcast %squeeze3A_45 : f32 to vector<16xf32>
          %parallel_loop3A_169 = arith.subf %parallel_loop3A_167, %parallel_loop3A_168 : vector<16xf32>
          %parallel_loop3A_170 = arith.constant 0 : i32
          %parallel_loop3A_171 = arith.index_cast %parallel_loop3A_170 : i32 to index
          %parallel_loop3A_172 = arith.index_cast %parallel_loop3A_157 : i32 to index
          %parallel_loop3A_173 = tpu.vector_load %arg9[%parallel_loop3A_171, %parallel_loop3A_172] {strides = array<i32>} : memref<1x8208xf32, #tpu.memory_space<vmem>>, vector<16xf32>,
          %parallel_loop3A_174 = vector.broadcast %squeeze3A_51 : f32 to vector<16xf32>
          %parallel_loop3A_175 = arith.subf %parallel_loop3A_173, %parallel_loop3A_174 : vector<16xf32>
          %parallel_loop3A_176 = arith.mulf %parallel_loop3A_163, %parallel_loop3A_163 : vector<16xf32>
          %parallel_loop3A_177 = arith.mulf %parallel_loop3A_169, %parallel_loop3A_169 : vector<16xf32>
          %parallel_loop3A_178 = arith.addf %parallel_loop3A_176, %parallel_loop3A_177 : vector<16xf32>
          %parallel_loop3A_179 = arith.mulf %parallel_loop3A_175, %parallel_loop3A_175 : vector<16xf32>
          %parallel_loop3A_180 = arith.addf %parallel_loop3A_178, %parallel_loop3A_179 : vector<16xf32>
          %parallel_loop3A_181 = arith.constant 0 : i32
          %parallel_loop3A_182 = arith.index_cast %parallel_loop3A_181 : i32 to index
          %parallel_loop3A_183 = arith.index_cast %parallel_loop3A_157 : i32 to index
          %parallel_loop3A_184 = tpu.vector_load %arg10[%parallel_loop3A_182, %parallel_loop3A_183] {strides = array<i32>} : memref<1x8192xf32, #tpu.memory_space<vmem>>, vector<16xf32>,
          %parallel_loop3A_185 = arith.minimumf %parallel_loop3A_184, %parallel_loop3A_180 : vector<16xf32>
          %parallel_loop3A_186 = arith.constant 0 : i32
          %parallel_loop3A_187 = arith.index_cast %parallel_loop3A_186 : i32 to index
          %parallel_loop3A_188 = arith.index_cast %parallel_loop3A_157 : i32 to index
          %parallel_loop3A_189 = tpu.vector_load %arg10[%parallel_loop3A_187, %parallel_loop3A_188] {strides = array<i32>} : memref<1x8192xf32, #tpu.memory_space<vmem>>, vector<16xf32>,
          tpu.vector_store %arg10[%parallel_loop3A_187, %parallel_loop3A_188], %parallel_loop3A_185 {strides = array<i32>} : memref<1x8192xf32, #tpu.memory_space<vmem>>, vector<16xf32>,
          %parallel_loop3A_190 = arith.cmpf ogt, %parallel_loop3A_185, %parallel_loop3A_148 : vector<16xf32>
          %parallel_loop3A_191 = arith.select %parallel_loop3A_190, %parallel_loop3A_185, %parallel_loop3A_148 : vector<16xi1>, vector<16xf32>
          %parallel_loop3A_192 = vector.broadcast %parallel_loop3A_157 : i32 to vector<16xi32>
          %parallel_loop3A_193 = arith.addi %iota3A, %parallel_loop3A_192 : vector<16xi32>
          %parallel_loop3A_194 = arith.select %parallel_loop3A_190, %parallel_loop3A_193, %parallel_loop3A_149 : vector<16xi1>, vector<16xi32>
          %parallel_loop3A_195 = arith.constant 16 : i32
          %parallel_loop3A_196 = arith.addi %parallel_loop3A_147, %parallel_loop3A_195 : i32
          %parallel_loop3A_197 = arith.constant 0 : i32
          %parallel_loop3A_198 = arith.index_cast %parallel_loop3A_197 : i32 to index
          %parallel_loop3A_199 = arith.index_cast %parallel_loop3A_196 : i32 to index
          %parallel_loop3A_200 = tpu.vector_load %arg7[%parallel_loop3A_198, %parallel_loop3A_199] {strides = array<i32>} : memref<1x8208xf32, #tpu.memory_space<vmem>>, vector<16xf32>,
          %parallel_loop3A_201 = vector.broadcast %squeeze3A_39 : f32 to vector<16xf32>
          %parallel_loop3A_202 = arith.subf %parallel_loop3A_200, %parallel_loop3A_201 : vector<16xf32>
          %parallel_loop3A_203 = arith.constant 0 : i32
          %parallel_loop3A_204 = arith.index_cast %parallel_loop3A_203 : i32 to index
          %parallel_loop3A_205 = arith.index_cast %parallel_loop3A_196 : i32 to index
          %parallel_loop3A_206 = tpu.vector_load %arg8[%parallel_loop3A_204, %parallel_loop3A_205] {strides = array<i32>} : memref<1x8208xf32, #tpu.memory_space<vmem>>, vector<16xf32>,
          %parallel_loop3A_207 = vector.broadcast %squeeze3A_45 : f32 to vector<16xf32>
          %parallel_loop3A_208 = arith.subf %parallel_loop3A_206, %parallel_loop3A_207 : vector<16xf32>
          %parallel_loop3A_209 = arith.constant 0 : i32
          %parallel_loop3A_210 = arith.index_cast %parallel_loop3A_209 : i32 to index
          %parallel_loop3A_211 = arith.index_cast %parallel_loop3A_196 : i32 to index
          %parallel_loop3A_212 = tpu.vector_load %arg9[%parallel_loop3A_210, %parallel_loop3A_211] {strides = array<i32>} : memref<1x8208xf32, #tpu.memory_space<vmem>>, vector<16xf32>,
          %parallel_loop3A_213 = vector.broadcast %squeeze3A_51 : f32 to vector<16xf32>
          %parallel_loop3A_214 = arith.subf %parallel_loop3A_212, %parallel_loop3A_213 : vector<16xf32>
          %parallel_loop3A_215 = arith.mulf %parallel_loop3A_202, %parallel_loop3A_202 : vector<16xf32>
          %parallel_loop3A_216 = arith.mulf %parallel_loop3A_208, %parallel_loop3A_208 : vector<16xf32>
          %parallel_loop3A_217 = arith.addf %parallel_loop3A_215, %parallel_loop3A_216 : vector<16xf32>
          %parallel_loop3A_218 = arith.mulf %parallel_loop3A_214, %parallel_loop3A_214 : vector<16xf32>
          %parallel_loop3A_219 = arith.addf %parallel_loop3A_217, %parallel_loop3A_218 : vector<16xf32>
          %parallel_loop3A_220 = arith.constant 0 : i32
          %parallel_loop3A_221 = arith.index_cast %parallel_loop3A_220 : i32 to index
          %parallel_loop3A_222 = arith.index_cast %parallel_loop3A_196 : i32 to index
          %parallel_loop3A_223 = tpu.vector_load %arg10[%parallel_loop3A_221, %parallel_loop3A_222] {strides = array<i32>} : memref<1x8192xf32, #tpu.memory_space<vmem>>, vector<16xf32>,
          %parallel_loop3A_224 = arith.minimumf %parallel_loop3A_223, %parallel_loop3A_219 : vector<16xf32>
          %parallel_loop3A_225 = arith.constant 0 : i32
          %parallel_loop3A_226 = arith.index_cast %parallel_loop3A_225 : i32 to index
          %parallel_loop3A_227 = arith.index_cast %parallel_loop3A_196 : i32 to index
          %parallel_loop3A_228 = tpu.vector_load %arg10[%parallel_loop3A_226, %parallel_loop3A_227] {strides = array<i32>} : memref<1x8192xf32, #tpu.memory_space<vmem>>, vector<16xf32>,
          tpu.vector_store %arg10[%parallel_loop3A_226, %parallel_loop3A_227], %parallel_loop3A_224 {strides = array<i32>} : memref<1x8192xf32, #tpu.memory_space<vmem>>, vector<16xf32>,
          %parallel_loop3A_229 = arith.cmpf ogt, %parallel_loop3A_224, %parallel_loop3A_150 : vector<16xf32>
          %parallel_loop3A_230 = arith.select %parallel_loop3A_229, %parallel_loop3A_224, %parallel_loop3A_150 : vector<16xi1>, vector<16xf32>
          %parallel_loop3A_231 = vector.broadcast %parallel_loop3A_196 : i32 to vector<16xi32>
          %parallel_loop3A_232 = arith.addi %iota3A, %parallel_loop3A_231 : vector<16xi32>
          %parallel_loop3A_233 = arith.select %parallel_loop3A_229, %parallel_loop3A_232, %parallel_loop3A_151 : vector<16xi1>, vector<16xi32>
          %parallel_loop3A_234 = arith.constant 32 : i32
          %parallel_loop3A_235 = arith.addi %parallel_loop3A_147, %parallel_loop3A_234 : i32
          %parallel_loop3A_236 = arith.constant 0 : i32
          %parallel_loop3A_237 = arith.index_cast %parallel_loop3A_236 : i32 to index
          %parallel_loop3A_238 = arith.index_cast %parallel_loop3A_235 : i32 to index
          %parallel_loop3A_239 = tpu.vector_load %arg7[%parallel_loop3A_237, %parallel_loop3A_238] {strides = array<i32>} : memref<1x8208xf32, #tpu.memory_space<vmem>>, vector<16xf32>,
          %parallel_loop3A_240 = vector.broadcast %squeeze3A_39 : f32 to vector<16xf32>
          %parallel_loop3A_241 = arith.subf %parallel_loop3A_239, %parallel_loop3A_240 : vector<16xf32>
          %parallel_loop3A_242 = arith.constant 0 : i32
          %parallel_loop3A_243 = arith.index_cast %parallel_loop3A_242 : i32 to index
          %parallel_loop3A_244 = arith.index_cast %parallel_loop3A_235 : i32 to index
          %parallel_loop3A_245 = tpu.vector_load %arg8[%parallel_loop3A_243, %parallel_loop3A_244] {strides = array<i32>} : memref<1x8208xf32, #tpu.memory_space<vmem>>, vector<16xf32>,
          %parallel_loop3A_246 = vector.broadcast %squeeze3A_45 : f32 to vector<16xf32>
          %parallel_loop3A_247 = arith.subf %parallel_loop3A_245, %parallel_loop3A_246 : vector<16xf32>
          %parallel_loop3A_248 = arith.constant 0 : i32
          %parallel_loop3A_249 = arith.index_cast %parallel_loop3A_248 : i32 to index
          %parallel_loop3A_250 = arith.index_cast %parallel_loop3A_235 : i32 to index
          %parallel_loop3A_251 = tpu.vector_load %arg9[%parallel_loop3A_249, %parallel_loop3A_250] {strides = array<i32>} : memref<1x8208xf32, #tpu.memory_space<vmem>>, vector<16xf32>,
          %parallel_loop3A_252 = vector.broadcast %squeeze3A_51 : f32 to vector<16xf32>
          %parallel_loop3A_253 = arith.subf %parallel_loop3A_251, %parallel_loop3A_252 : vector<16xf32>
          %parallel_loop3A_254 = arith.mulf %parallel_loop3A_241, %parallel_loop3A_241 : vector<16xf32>
          %parallel_loop3A_255 = arith.mulf %parallel_loop3A_247, %parallel_loop3A_247 : vector<16xf32>
          %parallel_loop3A_256 = arith.addf %parallel_loop3A_254, %parallel_loop3A_255 : vector<16xf32>
          %parallel_loop3A_257 = arith.mulf %parallel_loop3A_253, %parallel_loop3A_253 : vector<16xf32>
          %parallel_loop3A_258 = arith.addf %parallel_loop3A_256, %parallel_loop3A_257 : vector<16xf32>
          %parallel_loop3A_259 = arith.constant 0 : i32
          %parallel_loop3A_260 = arith.index_cast %parallel_loop3A_259 : i32 to index
          %parallel_loop3A_261 = arith.index_cast %parallel_loop3A_235 : i32 to index
          %parallel_loop3A_262 = tpu.vector_load %arg10[%parallel_loop3A_260, %parallel_loop3A_261] {strides = array<i32>} : memref<1x8192xf32, #tpu.memory_space<vmem>>, vector<16xf32>,
          %parallel_loop3A_263 = arith.minimumf %parallel_loop3A_262, %parallel_loop3A_258 : vector<16xf32>
          %parallel_loop3A_264 = arith.constant 0 : i32
          %parallel_loop3A_265 = arith.index_cast %parallel_loop3A_264 : i32 to index
          %parallel_loop3A_266 = arith.index_cast %parallel_loop3A_235 : i32 to index
          %parallel_loop3A_267 = tpu.vector_load %arg10[%parallel_loop3A_265, %parallel_loop3A_266] {strides = array<i32>} : memref<1x8192xf32, #tpu.memory_space<vmem>>, vector<16xf32>,
          tpu.vector_store %arg10[%parallel_loop3A_265, %parallel_loop3A_266], %parallel_loop3A_263 {strides = array<i32>} : memref<1x8192xf32, #tpu.memory_space<vmem>>, vector<16xf32>,
          %parallel_loop3A_268 = arith.cmpf ogt, %parallel_loop3A_263, %parallel_loop3A_152 : vector<16xf32>
          %parallel_loop3A_269 = arith.select %parallel_loop3A_268, %parallel_loop3A_263, %parallel_loop3A_152 : vector<16xi1>, vector<16xf32>
          %parallel_loop3A_270 = vector.broadcast %parallel_loop3A_235 : i32 to vector<16xi32>
          %parallel_loop3A_271 = arith.addi %iota3A, %parallel_loop3A_270 : vector<16xi32>
          %parallel_loop3A_272 = arith.select %parallel_loop3A_268, %parallel_loop3A_271, %parallel_loop3A_153 : vector<16xi1>, vector<16xi32>
          %parallel_loop3A_273 = arith.constant 48 : i32
          %parallel_loop3A_274 = arith.addi %parallel_loop3A_147, %parallel_loop3A_273 : i32
          %parallel_loop3A_275 = arith.constant 0 : i32
          %parallel_loop3A_276 = arith.index_cast %parallel_loop3A_275 : i32 to index
          %parallel_loop3A_277 = arith.index_cast %parallel_loop3A_274 : i32 to index
          %parallel_loop3A_278 = tpu.vector_load %arg7[%parallel_loop3A_276, %parallel_loop3A_277] {strides = array<i32>} : memref<1x8208xf32, #tpu.memory_space<vmem>>, vector<16xf32>,
          %parallel_loop3A_279 = vector.broadcast %squeeze3A_39 : f32 to vector<16xf32>
          %parallel_loop3A_280 = arith.subf %parallel_loop3A_278, %parallel_loop3A_279 : vector<16xf32>
          %parallel_loop3A_281 = arith.constant 0 : i32
          %parallel_loop3A_282 = arith.index_cast %parallel_loop3A_281 : i32 to index
          %parallel_loop3A_283 = arith.index_cast %parallel_loop3A_274 : i32 to index
          %parallel_loop3A_284 = tpu.vector_load %arg8[%parallel_loop3A_282, %parallel_loop3A_283] {strides = array<i32>} : memref<1x8208xf32, #tpu.memory_space<vmem>>, vector<16xf32>,
          %parallel_loop3A_285 = vector.broadcast %squeeze3A_45 : f32 to vector<16xf32>
          %parallel_loop3A_286 = arith.subf %parallel_loop3A_284, %parallel_loop3A_285 : vector<16xf32>
          %parallel_loop3A_287 = arith.constant 0 : i32
          %parallel_loop3A_288 = arith.index_cast %parallel_loop3A_287 : i32 to index
          %parallel_loop3A_289 = arith.index_cast %parallel_loop3A_274 : i32 to index
          %parallel_loop3A_290 = tpu.vector_load %arg9[%parallel_loop3A_288, %parallel_loop3A_289] {strides = array<i32>} : memref<1x8208xf32, #tpu.memory_space<vmem>>, vector<16xf32>,
          %parallel_loop3A_291 = vector.broadcast %squeeze3A_51 : f32 to vector<16xf32>
          %parallel_loop3A_292 = arith.subf %parallel_loop3A_290, %parallel_loop3A_291 : vector<16xf32>
          %parallel_loop3A_293 = arith.mulf %parallel_loop3A_280, %parallel_loop3A_280 : vector<16xf32>
          %parallel_loop3A_294 = arith.mulf %parallel_loop3A_286, %parallel_loop3A_286 : vector<16xf32>
          %parallel_loop3A_295 = arith.addf %parallel_loop3A_293, %parallel_loop3A_294 : vector<16xf32>
          %parallel_loop3A_296 = arith.mulf %parallel_loop3A_292, %parallel_loop3A_292 : vector<16xf32>
          %parallel_loop3A_297 = arith.addf %parallel_loop3A_295, %parallel_loop3A_296 : vector<16xf32>
          %parallel_loop3A_298 = arith.constant 0 : i32
          %parallel_loop3A_299 = arith.index_cast %parallel_loop3A_298 : i32 to index
          %parallel_loop3A_300 = arith.index_cast %parallel_loop3A_274 : i32 to index
          %parallel_loop3A_301 = tpu.vector_load %arg10[%parallel_loop3A_299, %parallel_loop3A_300] {strides = array<i32>} : memref<1x8192xf32, #tpu.memory_space<vmem>>, vector<16xf32>,
          %parallel_loop3A_302 = arith.minimumf %parallel_loop3A_301, %parallel_loop3A_297 : vector<16xf32>
          %parallel_loop3A_303 = arith.constant 0 : i32
          %parallel_loop3A_304 = arith.index_cast %parallel_loop3A_303 : i32 to index
          %parallel_loop3A_305 = arith.index_cast %parallel_loop3A_274 : i32 to index
          %parallel_loop3A_306 = tpu.vector_load %arg10[%parallel_loop3A_304, %parallel_loop3A_305] {strides = array<i32>} : memref<1x8192xf32, #tpu.memory_space<vmem>>, vector<16xf32>,
          tpu.vector_store %arg10[%parallel_loop3A_304, %parallel_loop3A_305], %parallel_loop3A_302 {strides = array<i32>} : memref<1x8192xf32, #tpu.memory_space<vmem>>, vector<16xf32>,
          %parallel_loop3A_307 = arith.cmpf ogt, %parallel_loop3A_302, %parallel_loop3A_154 : vector<16xf32>
          %parallel_loop3A_308 = arith.select %parallel_loop3A_307, %parallel_loop3A_302, %parallel_loop3A_154 : vector<16xi1>, vector<16xf32>
          %parallel_loop3A_309 = vector.broadcast %parallel_loop3A_274 : i32 to vector<16xi32>
          %parallel_loop3A_310 = arith.addi %iota3A, %parallel_loop3A_309 : vector<16xi32>
          %parallel_loop3A_311 = arith.select %parallel_loop3A_307, %parallel_loop3A_310, %parallel_loop3A_155 : vector<16xi1>, vector<16xi32>
          scf.yield %parallel_loop3A_191, %parallel_loop3A_194, %parallel_loop3A_230, %parallel_loop3A_233, %parallel_loop3A_269, %parallel_loop3A_272, %parallel_loop3A_308, %parallel_loop3A_311 : vector<16xf32>, vector<16xi32>, vector<16xf32>, vector<16xi32>, vector<16xf32>, vector<16xi32>, vector<16xf32>, vector<16xi32>
        } {sc.loop_unroll_factor = 2 : i64, sc.parallel_access}
        %gt3A = arith.cmpf ogt, %parallel_loop3A_107#2, %parallel_loop3A_107#0 : vector<16xf32>
        %eq3A_108 = arith.cmpf oeq, %parallel_loop3A_107#2, %parallel_loop3A_107#0 : vector<16xf32>
        %lt3A_109 = arith.cmpi slt, %parallel_loop3A_107#3, %parallel_loop3A_107#1 : vector<16xi32>
        %and3A_110 = arith.andi %eq3A_108, %lt3A_109 : vector<16xi1>
        %or3A = arith.ori %gt3A, %and3A_110 : vector<16xi1>
        %select_n3A_111 = arith.select %or3A, %parallel_loop3A_107#2, %parallel_loop3A_107#0 : vector<16xi1>, vector<16xf32>
        %select_n3A_112 = arith.select %or3A, %parallel_loop3A_107#3, %parallel_loop3A_107#1 : vector<16xi1>, vector<16xi32>
        %gt3A_113 = arith.cmpf ogt, %parallel_loop3A_107#6, %parallel_loop3A_107#4 : vector<16xf32>
        %eq3A_114 = arith.cmpf oeq, %parallel_loop3A_107#6, %parallel_loop3A_107#4 : vector<16xf32>
        %lt3A_115 = arith.cmpi slt, %parallel_loop3A_107#7, %parallel_loop3A_107#5 : vector<16xi32>
        %and3A_116 = arith.andi %eq3A_114, %lt3A_115 : vector<16xi1>
        %or3A_117 = arith.ori %gt3A_113, %and3A_116 : vector<16xi1>
        %select_n3A_118 = arith.select %or3A_117, %parallel_loop3A_107#6, %parallel_loop3A_107#4 : vector<16xi1>, vector<16xf32>
        %select_n3A_119 = arith.select %or3A_117, %parallel_loop3A_107#7, %parallel_loop3A_107#5 : vector<16xi1>, vector<16xi32>
        %gt3A_120 = arith.cmpf ogt, %select_n3A_118, %select_n3A_111 : vector<16xf32>
        %eq3A_121 = arith.cmpf oeq, %select_n3A_118, %select_n3A_111 : vector<16xf32>
        %lt3A_122 = arith.cmpi slt, %select_n3A_119, %select_n3A_112 : vector<16xi32>
        %and3A_123 = arith.andi %eq3A_121, %lt3A_122 : vector<16xi1>
        %or3A_124 = arith.ori %gt3A_120, %and3A_123 : vector<16xi1>
        %select_n3A_125 = arith.select %or3A_124, %select_n3A_118, %select_n3A_111 : vector<16xi1>, vector<16xf32>
        %select_n3A_126 = arith.select %or3A_124, %select_n3A_119, %select_n3A_112 : vector<16xi1>, vector<16xi32>
        %masked_sort3A = arith.constant dense<true> : vector<16xi1>
        %masked_sort3A_127, %masked_sort3A_128, %masked_sort3A_129 = tpu.sort %select_n3A_125, %select_n3A_126 masked %masked_sort3A {descending = true} : (vector<16xf32>, vector<16xi32>, vector<16xi1>) -> (vector<16xi1>, vector<16xf32>, vector<16xi32>)
        %slice3A_130 = vector.extract_strided_slice %masked_sort3A_128 {offsets = [0], sizes = [1], strides = [1]} : vector<16xf32> to vector<1xf32>
        %squeeze3A_131 = vector.extract %slice3A_130[0] : f32 from vector<1xf32>
        %eq3A_132 = vector.broadcast %squeeze3A_131 : f32 to vector<16xf32>
        %eq3A_133 = arith.cmpf oeq, %select_n3A_125, %eq3A_132 : vector<16xf32>
        %jit3A_134 = arith.constant 8192 : i32
        %broadcast_in_dim3A_135 = vector.broadcast %jit3A_134 : i32 to vector<16xi32>
        %select_n3A_136 = arith.select %eq3A_133, %select_n3A_126, %broadcast_in_dim3A_135 : vector<16xi1>, vector<16xi32>
        %masked_sort3A_137 = arith.constant dense<true> : vector<16xi1>
        %masked_sort3A_138 = arith.constant -2147483648 : i32
        %masked_sort3A_139 = vector.broadcast %masked_sort3A_138 : i32 to vector<16xi32>
        %masked_sort3A_140 = arith.xori %select_n3A_136, %masked_sort3A_139 : vector<16xi32>
        %masked_sort3A_141, %masked_sort3A_142, %masked_sort3A_143 = tpu.sort %masked_sort3A_140, %select_n3A_136 masked %masked_sort3A_137 : (vector<16xi32>, vector<16xi32>, vector<16xi1>) -> (vector<16xi1>, vector<16xi32>, vector<16xi32>)
        %masked_sort3A_144 = arith.xori %masked_sort3A_142, %masked_sort3A_139 : vector<16xi32>
        %slice3A_145 = vector.extract_strided_slice %masked_sort3A_144 {offsets = [0], sizes = [1], strides = [1]} : vector<16xi32> to vector<1xi32>
        %squeeze3A_146 = vector.extract %slice3A_145[0] : i32 from vector<1xi32>
        scf.yield %squeeze3A_146 : i32
      }
      %scan3A_19 = arith.constant 512 : i32
      %mul3A_20 = arith.constant 3 : i32
      %mul3A_21 = arith.muli %add3A, %mul3A_20 : i32
      %add3A_22 = arith.constant 0 : i32
      %add3A_23 = arith.addi %mul3A_21, %add3A_22 : i32
      "tpu.region"() ({
        %run_scoped3A = tpu.sem_alloc : memref<!tpu.dma_semaphore, #tpu.memory_space<semaphore_mem>>
        %dma_start3A = arith.constant 0 : i32
        %dma_start3A_32 = tpu.memref_slice %arg6[%add3A_23, %dma_start3A] : memref<24x512xf32, #tpu.memory_space<hbm>> -> memref<1x512xf32, #tpu.memory_space<hbm>>
        %dma_start3A_33 = arith.constant 0 : i32
        %dma_start3A_34 = tpu.memref_slice %arg6[%add3A_23, %dma_start3A_33] : memref<24x512xf32, #tpu.memory_space<hbm>> -> memref<1x512xf32, #tpu.memory_space<hbm>>
        tpu.enqueue_dma source(%arg11 : memref<1x512xf32, #tpu.memory_space<vmem>>) target(%dma_start3A_34 : memref<1x512xf32, #tpu.memory_space<hbm>>) target_semaphore(%run_scoped3A : memref<!tpu.dma_semaphore, #tpu.memory_space<semaphore_mem>>)
        %dma_wait3A = arith.constant 0 : i32
        %dma_wait3A_35 = tpu.memref_slice %arg6[%add3A_23, %dma_wait3A] : memref<24x512xf32, #tpu.memory_space<hbm>> -> memref<1x512xf32, #tpu.memory_space<hbm>>
        %dma_wait3A_36 = arith.constant 0 : i32
        %dma_wait3A_37 = tpu.memref_slice %arg6[%add3A_23, %dma_wait3A_36] : memref<24x512xf32, #tpu.memory_space<hbm>> -> memref<1x512xf32, #tpu.memory_space<hbm>>
        tpu.wait_dma2 semaphore(%run_scoped3A : memref<!tpu.dma_semaphore, #tpu.memory_space<semaphore_mem>>) src(%arg11 : memref<1x512xf32, #tpu.memory_space<vmem>>) dst(%dma_wait3A_37 : memref<1x512xf32, #tpu.memory_space<hbm>>)
        tpu.yield
      }) : () -> ()
      %mul3A_24 = arith.constant 3 : i32
      %mul3A_25 = arith.muli %add3A, %mul3A_24 : i32
      %add3A_26 = arith.constant 1 : i32
      %add3A_27 = arith.addi %mul3A_25, %add3A_26 : i32
      "tpu.region"() ({
        %run_scoped3A = tpu.sem_alloc : memref<!tpu.dma_semaphore, #tpu.memory_space<semaphore_mem>>
        %dma_start3A = arith.constant 0 : i32
        %dma_start3A_32 = tpu.memref_slice %arg6[%add3A_27, %dma_start3A] : memref<24x512xf32, #tpu.memory_space<hbm>> -> memref<1x512xf32, #tpu.memory_space<hbm>>
        %dma_start3A_33 = arith.constant 0 : i32
        %dma_start3A_34 = tpu.memref_slice %arg6[%add3A_27, %dma_start3A_33] : memref<24x512xf32, #tpu.memory_space<hbm>> -> memref<1x512xf32, #tpu.memory_space<hbm>>
        tpu.enqueue_dma source(%arg12 : memref<1x512xf32, #tpu.memory_space<vmem>>) target(%dma_start3A_34 : memref<1x512xf32, #tpu.memory_space<hbm>>) target_semaphore(%run_scoped3A : memref<!tpu.dma_semaphore, #tpu.memory_space<semaphore_mem>>)
        %dma_wait3A = arith.constant 0 : i32
        %dma_wait3A_35 = tpu.memref_slice %arg6[%add3A_27, %dma_wait3A] : memref<24x512xf32, #tpu.memory_space<hbm>> -> memref<1x512xf32, #tpu.memory_space<hbm>>
        %dma_wait3A_36 = arith.constant 0 : i32
        %dma_wait3A_37 = tpu.memref_slice %arg6[%add3A_27, %dma_wait3A_36] : memref<24x512xf32, #tpu.memory_space<hbm>> -> memref<1x512xf32, #tpu.memory_space<hbm>>
        tpu.wait_dma2 semaphore(%run_scoped3A : memref<!tpu.dma_semaphore, #tpu.memory_space<semaphore_mem>>) src(%arg12 : memref<1x512xf32, #tpu.memory_space<vmem>>) dst(%dma_wait3A_37 : memref<1x512xf32, #tpu.memory_space<hbm>>)
        tpu.yield
      }) : () -> ()
      %mul3A_28 = arith.constant 3 : i32
      %mul3A_29 = arith.muli %add3A, %mul3A_28 : i32
      %add3A_30 = arith.constant 2 : i32
      %add3A_31 = arith.addi %mul3A_29, %add3A_30 : i32
      "tpu.region"() ({
        %run_scoped3A = tpu.sem_alloc : memref<!tpu.dma_semaphore, #tpu.memory_space<semaphore_mem>>
        %dma_start3A = arith.constant 0 : i32
        %dma_start3A_32 = tpu.memref_slice %arg6[%add3A_31, %dma_start3A] : memref<24x512xf32, #tpu.memory_space<hbm>> -> memref<1x512xf32, #tpu.memory_space<hbm>>
        %dma_start3A_33 = arith.constant 0 : i32
        %dma_start3A_34 = tpu.memref_slice %arg6[%add3A_31, %dma_start3A_33] : memref<24x512xf32, #tpu.memory_space<hbm>> -> memref<1x512xf32, #tpu.memory_space<hbm>>
        tpu.enqueue_dma source(%arg13 : memref<1x512xf32, #tpu.memory_space<vmem>>) target(%dma_start3A_34 : memref<1x512xf32, #tpu.memory_space<hbm>>) target_semaphore(%run_scoped3A : memref<!tpu.dma_semaphore, #tpu.memory_space<semaphore_mem>>)
        %dma_wait3A = arith.constant 0 : i32
        %dma_wait3A_35 = tpu.memref_slice %arg6[%add3A_31, %dma_wait3A] : memref<24x512xf32, #tpu.memory_space<hbm>> -> memref<1x512xf32, #tpu.memory_space<hbm>>
        %dma_wait3A_36 = arith.constant 0 : i32
        %dma_wait3A_37 = tpu.memref_slice %arg6[%add3A_31, %dma_wait3A_36] : memref<24x512xf32, #tpu.memory_space<hbm>> -> memref<1x512xf32, #tpu.memory_space<hbm>>
        tpu.wait_dma2 semaphore(%run_scoped3A : memref<!tpu.dma_semaphore, #tpu.memory_space<semaphore_mem>>) src(%arg13 : memref<1x512xf32, #tpu.memory_space<vmem>>) dst(%dma_wait3A_37 : memref<1x512xf32, #tpu.memory_space<hbm>>)
        tpu.yield
      }) : () -> ()
    } else {
    }
    return
  }
}

module attributes {stable_mosaic.version = 14 : i64} {
  func.func @_group_body(%arg0: i32, %arg1: i32, %arg2: memref<1x3x8192xf32, #tpu.memory_space<vmem>>, %arg3: memref<1x512x3xf32, #tpu.memory_space<vmem>>, %arg4: memref<1x512x3xf32, #tpu.memory_space<vmem>>) attributes {dimension_semantics = [#tpu.dimension_semantics<parallel>, #tpu.dimension_semantics<parallel>], iteration_bounds = array<i64: 8, 1>, scalar_prefetch = 0 : i64, scratch_operands = 0 : i64, tpu.core_type = #tpu.core_type<tc>, window_params = [{transform_indices = @transform_0, window_bounds = array<i64: 1, 3, 8192>}, {transform_indices = @transform_1, window_bounds = array<i64: 1, 512, 3>}, {transform_indices = @transform_2, window_bounds = array<i64: 1, 512, 3>}]} {
    %get3A = arith.constant 0 : index
    %get3A_0 = arith.constant 0 : index
    %get3A_1 = arith.constant 0 : index
    %get3A_2 = vector.load %arg2[%get3A, %get3A_0, %get3A_1] : memref<1x3x8192xf32, #tpu.memory_space<vmem>>, vector<1x1x8192xf32>
    %get3A_3 = vector.shape_cast %get3A_2 : vector<1x1x8192xf32> to vector<1x8192xf32>
    %get3A_4 = arith.constant 0 : index
    %get3A_5 = arith.constant 1 : index
    %get3A_6 = arith.constant 0 : index
    %get3A_7 = vector.load %arg2[%get3A_4, %get3A_5, %get3A_6] : memref<1x3x8192xf32, #tpu.memory_space<vmem>>, vector<1x1x8192xf32>
    %get3A_8 = vector.shape_cast %get3A_7 : vector<1x1x8192xf32> to vector<1x8192xf32>
    %get3A_9 = arith.constant 0 : index
    %get3A_10 = arith.constant 2 : index
    %get3A_11 = arith.constant 0 : index
    %get3A_12 = vector.load %arg2[%get3A_9, %get3A_10, %get3A_11] : memref<1x3x8192xf32, #tpu.memory_space<vmem>>, vector<1x1x8192xf32>
    %get3A_13 = vector.shape_cast %get3A_12 : vector<1x1x8192xf32> to vector<1x8192xf32>
    %get3A_14 = arith.constant 0 : index
    %get3A_15 = arith.constant 0 : index
    %get3A_16 = arith.constant 0 : index
    %get3A_17 = vector.load %arg3[%get3A_14, %get3A_15, %get3A_16] : memref<1x512x3xf32, #tpu.memory_space<vmem>>, vector<1x512x1xf32>
    %get3A_18 = vector.shape_cast %get3A_17 : vector<1x512x1xf32> to vector<512x1xf32>
    %get3A_19 = arith.constant 0 : index
    %get3A_20 = arith.constant 0 : index
    %get3A_21 = arith.constant 1 : index
    %get3A_22 = vector.load %arg3[%get3A_19, %get3A_20, %get3A_21] : memref<1x512x3xf32, #tpu.memory_space<vmem>>, vector<1x512x1xf32>
    %get3A_23 = vector.shape_cast %get3A_22 : vector<1x512x1xf32> to vector<512x1xf32>
    %get3A_24 = arith.constant 0 : index
    %get3A_25 = arith.constant 0 : index
    %get3A_26 = arith.constant 2 : index
    %get3A_27 = vector.load %arg3[%get3A_24, %get3A_25, %get3A_26] : memref<1x512x3xf32, #tpu.memory_space<vmem>>, vector<1x512x1xf32>
    %get3A_28 = vector.shape_cast %get3A_27 : vector<1x512x1xf32> to vector<512x1xf32>
    %get3A_29 = arith.constant 0 : index
    %get3A_30 = arith.constant 0 : index
    %get3A_31 = arith.constant 0 : index
    %get3A_32 = vector.load %arg3[%get3A_29, %get3A_30, %get3A_31] : memref<1x512x3xf32, #tpu.memory_space<vmem>>, vector<1x512x3xf32>
    %get3A_33 = vector.shape_cast %get3A_32 : vector<1x512x3xf32> to vector<512x3xf32>
    %get3A_34 = arith.constant 0 : index
    %get3A_35 = arith.constant 0 : index
    %get3A_36 = arith.constant 0 : index
    %get3A_37 = vector.load %arg2[%get3A_34, %get3A_35, %get3A_36] : memref<1x3x8192xf32, #tpu.memory_space<vmem>>, vector<1x3x8192xf32>
    %get3A_38 = vector.shape_cast %get3A_37 : vector<1x3x8192xf32> to vector<3x8192xf32>
    %dot_general3A = arith.constant dense<0.000000e+00> : vector<512x8192xf32>
    %dot_general3A_39 = tpu.matmul %get3A_33, %get3A_38, %dot_general3A {dimension_numbers = #tpu.dot_dimension_numbers<[1], [0], [0], [1], [0, 0, 1, 1], [], []>, transpose_lhs_hint = false} : vector<512x3xf32>, vector<3x8192xf32>, vector<512x8192xf32> -> vector<512x8192xf32>
    %mul3A = arith.mulf %get3A_18, %get3A_18 : vector<512x1xf32>
    %mul3A_40 = arith.mulf %get3A_23, %get3A_23 : vector<512x1xf32>
    %add3A = arith.addf %mul3A, %mul3A_40 : vector<512x1xf32>
    %mul3A_41 = arith.mulf %get3A_28, %get3A_28 : vector<512x1xf32>
    %add3A_42 = arith.addf %add3A, %mul3A_41 : vector<512x1xf32>
    %mul3A_43 = arith.mulf %get3A_3, %get3A_3 : vector<1x8192xf32>
    %mul3A_44 = arith.mulf %get3A_8, %get3A_8 : vector<1x8192xf32>
    %add3A_45 = arith.addf %mul3A_43, %mul3A_44 : vector<1x8192xf32>
    %mul3A_46 = arith.mulf %get3A_13, %get3A_13 : vector<1x8192xf32>
    %add3A_47 = arith.addf %add3A_45, %mul3A_46 : vector<1x8192xf32>
    %mul3A_48 = arith.constant -2.000000e+00 : f32
    %mul3A_49 = vector.broadcast %mul3A_48 : f32 to vector<512x8192xf32>
    %mul3A_50 = arith.mulf %mul3A_49, %dot_general3A_39 : vector<512x8192xf32>
    %add3A_51 = vector.broadcast %add3A_42 : vector<512x1xf32> to vector<512x8192xf32>
    %add3A_52 = arith.addf %mul3A_50, %add3A_51 : vector<512x8192xf32>
    %add3A_53 = vector.broadcast %add3A_47 : vector<1x8192xf32> to vector<512x8192xf32>
    %add3A_54 = arith.addf %add3A_52, %add3A_53 : vector<512x8192xf32>
    %max3A = arith.constant 0.000000e+00 : f32
    %max3A_55 = vector.broadcast %max3A : f32 to vector<512x8192xf32>
    %max3A_56 = arith.maximumf %add3A_54, %max3A_55 : vector<512x8192xf32>
    %bitcast_convert_type3A = tpu.bitcast %max3A_56 : vector<512x8192xf32> -> vector<512x8192xi32>
    %broadcast_in_dim3A = arith.constant 0 : i32
    %broadcast_in_dim3A_57 = vector.broadcast %broadcast_in_dim3A : i32 to vector<512x1xi32>
    %broadcast_in_dim3A_58 = arith.constant 2139095039 : i32
    %broadcast_in_dim3A_59 = vector.broadcast %broadcast_in_dim3A_58 : i32 to vector<512x1xi32>
    %scan3A = arith.constant 0 : i32
    %scan3A_60 = arith.constant 31 : i32
    %scan3A_61 = arith.addi %scan3A, %scan3A_60 : i32
    %scan3A_62 = arith.constant 1 : i32
    %scan3A_63:2 = scf.for %scan3A_124 = %scan3A to %scan3A_61 step %scan3A_62 iter_args(%scan3A_125 = %broadcast_in_dim3A_57, %scan3A_126 = %broadcast_in_dim3A_59) -> (vector<512x1xi32>, vector<512x1xi32>)  : i32 {
      %sub3A_127 = arith.subi %scan3A_126, %scan3A_125 : vector<512x1xi32>
      %shift_right_logical3A = arith.constant 1 : i32
      %shift_right_logical3A_128 = vector.broadcast %shift_right_logical3A : i32 to vector<512x1xi32>
      %shift_right_logical3A_129 = arith.shrui %sub3A_127, %shift_right_logical3A_128 : vector<512x1xi32>
      %add3A_130 = arith.addi %scan3A_125, %shift_right_logical3A_129 : vector<512x1xi32>
      %le3A = vector.broadcast %add3A_130 : vector<512x1xi32> to vector<512x8192xi32>
      %le3A_131 = arith.cmpi sle, %bitcast_convert_type3A, %le3A : vector<512x8192xi32>
      %convert_element_type3A_132 = arith.extui %le3A_131 : vector<512x8192xi1> to vector<512x8192xi32>
      %reduce_sum3A_133 = arith.constant dense<0> : vector<512xi32>
      %reduce_sum3A_134 = vector.multi_reduction <add>, %convert_element_type3A_132, %reduce_sum3A_133 [1] : vector<512x8192xi32> to vector<512xi32>
      %broadcast_in_dim3A_135 = vector.shape_cast %reduce_sum3A_134 : vector<512xi32> to vector<512x1xi32>
      %ge3A = arith.constant 32 : i32
      %ge3A_136 = vector.broadcast %ge3A : i32 to vector<512x1xi32>
      %ge3A_137 = arith.cmpi sge, %broadcast_in_dim3A_135, %ge3A_136 : vector<512x1xi32>
      %add3A_138 = arith.constant 1 : i32
      %add3A_139 = vector.broadcast %add3A_138 : i32 to vector<512x1xi32>
      %add3A_140 = arith.addi %add3A_130, %add3A_139 : vector<512x1xi32>
      %select_n3A = arith.select %ge3A_137, %scan3A_125, %add3A_140 : vector<512x1xi1>, vector<512x1xi32>
      %select_n3A_141 = arith.select %ge3A_137, %add3A_130, %scan3A_126 : vector<512x1xi1>, vector<512x1xi32>
      scf.yield %select_n3A, %select_n3A_141 : vector<512x1xi32>, vector<512x1xi32>
    }
    %lt3A = vector.broadcast %scan3A_63#1 : vector<512x1xi32> to vector<512x8192xi32>
    %lt3A_64 = arith.cmpi slt, %bitcast_convert_type3A, %lt3A : vector<512x8192xi32>
    %eq3A = vector.broadcast %scan3A_63#1 : vector<512x1xi32> to vector<512x8192xi32>
    %eq3A_65 = arith.cmpi eq, %bitcast_convert_type3A, %eq3A : vector<512x8192xi32>
    %convert_element_type3A = arith.extui %lt3A_64 : vector<512x8192xi1> to vector<512x8192xi32>
    %reduce_sum3A = arith.constant dense<0> : vector<512xi32>
    %reduce_sum3A_66 = vector.multi_reduction <add>, %convert_element_type3A, %reduce_sum3A [1] : vector<512x8192xi32> to vector<512xi32>
    %broadcast_in_dim3A_67 = vector.shape_cast %reduce_sum3A_66 : vector<512xi32> to vector<512x1xi32>
    %convert_element_type3A_68 = arith.extui %eq3A_65 : vector<512x8192xi1> to vector<512x8192xi32>
    %reduce_sum3A_69 = arith.constant dense<0> : vector<512xi32>
    %reduce_sum3A_70 = vector.multi_reduction <add>, %convert_element_type3A_68, %reduce_sum3A_69 [1] : vector<512x8192xi32> to vector<512xi32>
    %broadcast_in_dim3A_71 = vector.shape_cast %reduce_sum3A_70 : vector<512xi32> to vector<512x1xi32>
    %sub3A = arith.constant 32 : i32
    %sub3A_72 = vector.broadcast %sub3A : i32 to vector<512x1xi32>
    %sub3A_73 = arith.subi %sub3A_72, %broadcast_in_dim3A_67 : vector<512x1xi32>
    %convert_element_type3A_74 = arith.sitofp %sub3A_73 : vector<512x1xi32> to vector<512x1xf32>
    %convert_element_type3A_75 = arith.sitofp %broadcast_in_dim3A_71 : vector<512x1xi32> to vector<512x1xf32>
    %div3A = arith.divf %convert_element_type3A_74, %convert_element_type3A_75 : vector<512x1xf32>
    %convert_element_type3A_76 = arith.extui %lt3A_64 : vector<512x8192xi1> to vector<512x8192xi32>
    %convert_element_type3A_77 = arith.sitofp %convert_element_type3A_76 : vector<512x8192xi32> to vector<512x8192xf32>
    %convert_element_type3A_78 = arith.extui %eq3A_65 : vector<512x8192xi1> to vector<512x8192xi32>
    %convert_element_type3A_79 = arith.sitofp %convert_element_type3A_78 : vector<512x8192xi32> to vector<512x8192xf32>
    %mul3A_80 = vector.broadcast %div3A : vector<512x1xf32> to vector<512x8192xf32>
    %mul3A_81 = arith.mulf %mul3A_80, %convert_element_type3A_79 : vector<512x8192xf32>
    %add3A_82 = arith.addf %convert_element_type3A_77, %mul3A_81 : vector<512x8192xf32>
    %mul3A_83 = vector.broadcast %get3A_3 : vector<1x8192xf32> to vector<512x8192xf32>
    %mul3A_84 = arith.mulf %add3A_82, %mul3A_83 : vector<512x8192xf32>
    %reduce_sum3A_85 = arith.constant dense<0.000000e+00> : vector<512xf32>
    %reduce_sum3A_86 = vector.multi_reduction <add>, %mul3A_84, %reduce_sum3A_85 [1] : vector<512x8192xf32> to vector<512xf32>
    %broadcast_in_dim3A_87 = vector.shape_cast %reduce_sum3A_86 : vector<512xf32> to vector<512x1xf32>
    %mul3A_88 = arith.constant 3.125000e-02 : f32
    %mul3A_89 = vector.broadcast %mul3A_88 : f32 to vector<512x1xf32>
    %mul3A_90 = arith.mulf %broadcast_in_dim3A_87, %mul3A_89 : vector<512x1xf32>
    %swap3A = arith.constant 0 : index
    %swap3A_91 = arith.constant 0 : index
    %swap3A_92 = arith.constant 0 : index
    %swap3A_93 = vector.load %arg4[%swap3A, %swap3A_91, %swap3A_92] : memref<1x512x3xf32, #tpu.memory_space<vmem>>, vector<1x512x1xf32>
    %swap3A_94 = vector.shape_cast %swap3A_93 : vector<1x512x1xf32> to vector<512x1xf32>
    %swap3A_95 = vector.shape_cast %mul3A_90 : vector<512x1xf32> to vector<1x512x1xf32>
    tpu.vector_store %arg4[%swap3A, %swap3A_91, %swap3A_92], %swap3A_95 {strides = array<i32>} : memref<1x512x3xf32, #tpu.memory_space<vmem>>, vector<1x512x1xf32>,
    %mul3A_96 = vector.broadcast %get3A_8 : vector<1x8192xf32> to vector<512x8192xf32>
    %mul3A_97 = arith.mulf %add3A_82, %mul3A_96 : vector<512x8192xf32>
    %reduce_sum3A_98 = arith.constant dense<0.000000e+00> : vector<512xf32>
    %reduce_sum3A_99 = vector.multi_reduction <add>, %mul3A_97, %reduce_sum3A_98 [1] : vector<512x8192xf32> to vector<512xf32>
    %broadcast_in_dim3A_100 = vector.shape_cast %reduce_sum3A_99 : vector<512xf32> to vector<512x1xf32>
    %mul3A_101 = arith.constant 3.125000e-02 : f32
    %mul3A_102 = vector.broadcast %mul3A_101 : f32 to vector<512x1xf32>
    %mul3A_103 = arith.mulf %broadcast_in_dim3A_100, %mul3A_102 : vector<512x1xf32>
    %swap3A_104 = arith.constant 0 : index
    %swap3A_105 = arith.constant 0 : index
    %swap3A_106 = arith.constant 1 : index
    %swap3A_107 = vector.load %arg4[%swap3A_104, %swap3A_105, %swap3A_106] : memref<1x512x3xf32, #tpu.memory_space<vmem>>, vector<1x512x1xf32>
    %swap3A_108 = vector.shape_cast %swap3A_107 : vector<1x512x1xf32> to vector<512x1xf32>
    %swap3A_109 = vector.shape_cast %mul3A_103 : vector<512x1xf32> to vector<1x512x1xf32>
    tpu.vector_store %arg4[%swap3A_104, %swap3A_105, %swap3A_106], %swap3A_109 {strides = array<i32>} : memref<1x512x3xf32, #tpu.memory_space<vmem>>, vector<1x512x1xf32>,
    %mul3A_110 = vector.broadcast %get3A_13 : vector<1x8192xf32> to vector<512x8192xf32>
    %mul3A_111 = arith.mulf %add3A_82, %mul3A_110 : vector<512x8192xf32>
    %reduce_sum3A_112 = arith.constant dense<0.000000e+00> : vector<512xf32>
    %reduce_sum3A_113 = vector.multi_reduction <add>, %mul3A_111, %reduce_sum3A_112 [1] : vector<512x8192xf32> to vector<512xf32>
    %broadcast_in_dim3A_114 = vector.shape_cast %reduce_sum3A_113 : vector<512xf32> to vector<512x1xf32>
    %mul3A_115 = arith.constant 3.125000e-02 : f32
    %mul3A_116 = vector.broadcast %mul3A_115 : f32 to vector<512x1xf32>
    %mul3A_117 = arith.mulf %broadcast_in_dim3A_114, %mul3A_116 : vector<512x1xf32>
    %swap3A_118 = arith.constant 0 : index
    %swap3A_119 = arith.constant 0 : index
    %swap3A_120 = arith.constant 2 : index
    %swap3A_121 = vector.load %arg4[%swap3A_118, %swap3A_119, %swap3A_120] : memref<1x512x3xf32, #tpu.memory_space<vmem>>, vector<1x512x1xf32>
    %swap3A_122 = vector.shape_cast %swap3A_121 : vector<1x512x1xf32> to vector<512x1xf32>
    %swap3A_123 = vector.shape_cast %mul3A_117 : vector<512x1xf32> to vector<1x512x1xf32>
    tpu.vector_store %arg4[%swap3A_118, %swap3A_119, %swap3A_120], %swap3A_123 {strides = array<i32>} : memref<1x512x3xf32, #tpu.memory_space<vmem>>, vector<1x512x1xf32>,
    return
  }
  func.func @transform_0(%arg0: i32, %arg1: i32) -> (i32, i32, i32) {
    %c0_i32 = arith.constant 0 : i32
    %c0_i32_0 = arith.constant 0 : i32
    %c0_i32_1 = arith.constant 0 : i32
    return %arg0, %c0_i32, %c0_i32_0 : i32, i32, i32
  }
  func.func @transform_1(%arg0: i32, %arg1: i32) -> (i32, i32, i32) {
    %c0_i32 = arith.constant 0 : i32
    %c0_i32_0 = arith.constant 0 : i32
    return %arg0, %arg1, %c0_i32 : i32, i32, i32
  }
  func.func @transform_2(%arg0: i32, %arg1: i32) -> (i32, i32, i32) {
    %c0_i32 = arith.constant 0 : i32
    %c0_i32_0 = arith.constant 0 : i32
    return %arg0, %arg1, %c0_i32 : i32, i32, i32
  }
}

</mosaic_0001>

<sc_bundles>
// kernel: kernel.4.cloned.1.call-start
scs
__scs_entry_jumppad:
0x0: {  	(pc) =	sbr.rel $0x88, $3  }
0x1: {  	(tag) =	ssettag $0x0;
	lr =	simm.s32 $0x1  }
0x2: {  	[smem:$0x3FA0] =	sst lr;
	_ =	strace $0xD0000000  }
0x3: {  	_ = 	snop  }
0x4: {  	_ = 	snop  }
0x5: {  	_ = 	snop  }
0x6: {  	_ = 	snop  }
0x7: {  	_ = 	snop  }
__scs_overlays_trampoline_lowered:
0x8: {  	[smem:$0x3FAF] =	sst s0  }
0x9: {  	[smem:$0x3FB0] =	sst s1  }
0xa: {  	[smem:$0x3FB1] =	sst s2  }
0xb: {  	[smem:$0x3FB2] =	sst s3  }
0xc: {  	[smem:$0x3FB3] =	sst s4  }
0xd: {  	[smem:$0x3FB4] =	sst s5  }
0xe: {  	[smem:$0x3FB5] =	sst s6  }
0xf: {  	[smem:$0x3FB6] =	sst s7  }
0x10: {  	[smem:$0x3FB7] =	sst s8  }
0x11: {  	[smem:$0x3FB8] =	sst s9;
	s0 =	simm.s32 @!p0 $0x0  }
0x12: {  	s1 =	sld [smem:$0x3F9E];
	s0 =	simm.s32 @p0 $0x1  }
0x13: {  	[smem:$0x3FB9] =	sst s0;
	s0 =	simm.s32 @!p1 $0x0  }
0x14: {  	s2 =	sld [smem:$0x3F9D];
	s0 =	simm.s32 @p1 $0x1  }
0x15: {  	[smem:$0x3FBA] =	sst s0;
	s0 =	simm.s32 @!p2 $0x0  }
0x16: {  	s3 =	sld [smem:$0x3FDB];
	s0 =	simm.s32 @p2 $0x1  }
0x17: {  	s4 =	simm.s32 $0x1BF5;
	[smem:$0x3FBC] =	sst s0  }
0x18: {  	s0 =	sld [smem:$0x3F9F];
	_ =	swait.ge [sflag:s4], $0x0  }
0x19: {  	s7 =	sld [smem:$0x3FA0]  }
0x1a: {  	s8 =	sadd.s32 $0xFFFFE003, lr  }
0x1b: {  	s9 =	sadd.s32 $0xFFFFFEF7, lr;
	s5 =	simm.s32 $0xFFFFFFFF;
	p2 =	slt.u32 s8, $0xFFFFF086  }
0x1c: {  	p1 =	slt.u32 s9, $0xF7A;
	s5 =	simm.s32 @!p2 $0x0  }
0x1d: {  	s5 =	simm.s32 @p1 $0x1;
	p0 =	seq.s32 s7, s2  }
0x1e: {  	s7 =	smul.u32 @!p0 $0xF7A, s2;
	p2 =	seq.s32 @!p0 s5, $0x0  }
0x1f: {  	s9 =	smul.u32 $0xF7A, s1;
	s8 =	simm.s32 @!p0 $0x1BF5;
	p2 =	por !p2, p0  }
0x20: {  	[sflag:s8] =	ssyncset.s32 @!p0 $0xFFFFF086;
	s6 =	sadd.s32 @!p0 s3, s7;
	s7 =	simm.s32 @!p0 $0x108  }
0x21: {  	s3 =	sadd.s32 s3, s9;
	s6 =	sadd.s32 @!p0 $0x88, s6;
	s7 =	simm.s32 @p2 $0x1082  }
0x22: {  	[simem:s7], [sflag:s8] =	dma.local @!p0 [hbm:s6], $0xF7A  }
0x23: {  	s9 =	sor.u32 $0xD0000000, s2;
	s6 =	simm.s32 $0x108;
	_ =	swait.ge @!p0 [sflag:s8], $0x0  }
0x24: {  	s3 =	sadd.s32 $0x88, s3;
	s6 =	simm.s32 @!p1 $0x1082;
	[sflag:s4] =	ssyncset.s32 $0xFFFFF086  }
0x25: {  	[simem:s6], [sflag:s4] =	dma.local [hbm:s3], $0xF7A  }
0x26: {  	[smem:$0x3FA0] =	sst s1;
	(tag) =	ssettag s2;
	_ =	strace s9  }
0x27: {  	s1 =	sld [smem:$0x3FB0]  }
0x28: {  	s2 =	sld [smem:$0x3FB1]  }
0x29: {  	s4 =	sld [smem:$0x3FB3]  }
0x2a: {  	p0 =	seq.s32 s5, $0x0;
	s5 =	sld [smem:$0x3FB4]  }
0x2b: {  	s6 =	sld [smem:$0x3FB5]  }
0x2c: {  	s7 =	sld [smem:$0x3FB6]  }
0x2d: {  	s3 =	simm.s32 $0x108;
	s8 =	sld [smem:$0x3FB7]  }
0x2e: {  	s3 =	simm.s32 @!p0 $0x1082;
	s9 =	sld [smem:$0x3FB8]  }
0x2f: {  	lr =	sadd.s32 s0, s3;
	s0 =	sld [smem:$0x3FAF]  }
0x30: {  	s3 =	sld [smem:$0x3FB2]  }
0x31: {  	[smem:$0x3FBB] =	sst s10  }
0x32: {  	s10 =	sld [smem:$0x3FB9];
	_ =	sdelay $0x3  }
0x33: {  	p0 =	seq.s32 s10, $0x1;
	s10 =	sld [smem:$0x3FBB];
	_ =	sdelay $0x3  }
0x34: {  	[smem:$0x3FBB] =	sst s10  }
0x35: {  	s10 =	sld [smem:$0x3FBA];
	_ =	sdelay $0x3  }
0x36: {  	p1 =	seq.s32 s10, $0x1;
	s10 =	sld [smem:$0x3FBB];
	_ =	sdelay $0x3  }
0x37: {  	[smem:$0x3FBB] =	sst s10  }
0x38: {  	s10 =	sld [smem:$0x3FBC]  }
0x39: {  	_ = 	snop;
	(pc) =	sbr.ind lr, $3  }
0x3a: {  	_ = 	snop  }
0x3b: {  	_ = 	snop  }
0x3c: {  	p2 =	seq.s32 s10, $0x1;
	s10 =	sld [smem:$0x3FBB]  }
0x3d: {  	_ =	shalt  }
0x3e: {  	_ =	shalt  }
0x3f: {  	_ =	shalt  }
0x40: {  	_ =	shalt  }
0x41: {  	_ =	shalt  }
0x42: {  	_ =	shalt  }
0x43: {  	_ =	shalt  }
0x44: {  	_ =	shalt  }
0x45: {  	_ =	shalt  }
0x46: {  	_ =	shalt  }
0x47: {  	_ =	shalt  }
0x48: {  	_ =	shalt  }
0x49: {  	_ =	shalt  }
0x4a: {  	_ =	shalt  }
0x4b: {  	_ =	shalt  }
0x4c: {  	_ =	shalt  }
0x4d: {  	_ =	shalt  }
0x4e: {  	_ =	shalt  }
0x4f: {  	_ =	shalt  }
0x50: {  	_ =	shalt  }
0x51: {  	_ =	shalt  }
0x52: {  	_ =	shalt  }
0x53: {  	_ =	shalt  }
0x54: {  	_ =	shalt  }
0x55: {  	_ =	shalt  }
0x56: {  	_ =	shalt  }
0x57: {  	_ =	shalt  }
0x58: {  	_ =	shalt  }
0x59: {  	_ =	shalt  }
0x5a: {  	_ =	shalt  }
0x5b: {  	_ =	shalt  }
0x5c: {  	_ =	shalt  }
0x5d: {  	_ =	shalt  }
0x5e: {  	_ =	shalt  }
0x5f: {  	_ =	shalt  }
0x60: {  	_ =	shalt  }
0x61: {  	_ =	shalt  }
0x62: {  	_ =	shalt  }
0x63: {  	_ =	shalt  }
0x64: {  	_ =	shalt  }
0x65: {  	_ =	shalt  }
0x66: {  	_ =	shalt  }
0x67: {  	_ =	shalt  }
0x68: {  	_ =	shalt  }
0x69: {  	_ =	shalt  }
0x6a: {  	_ =	shalt  }
0x6b: {  	_ =	shalt  }
0x6c: {  	_ =	shalt  }
0x6d: {  	_ =	shalt  }
0x6e: {  	_ =	shalt  }
0x6f: {  	_ =	shalt  }
0x70: {  	_ =	shalt  }
0x71: {  	_ =	shalt  }
0x72: {  	_ =	shalt  }
0x73: {  	_ =	shalt  }
0x74: {  	_ =	shalt  }
0x75: {  	_ =	shalt  }
0x76: {  	_ =	shalt  }
0x77: {  	_ =	shalt  }
0x78: {  	_ =	shalt  }
0x79: {  	_ =	shalt  }
0x7a: {  	_ =	shalt  }
0x7b: {  	_ =	shalt  }
0x7c: {  	_ =	shalt  }
0x7d: {  	_ =	shalt  }
0x7e: {  	_ =	shalt  }
0x7f: {  	_ =	shalt  }
0x80: {  	_ =	shalt  }
0x81: {  	_ =	shalt  }
0x82: {  	_ =	shalt  }
0x83: {  	_ =	shalt  }
0x84: {  	_ =	shalt  }
0x85: {  	_ =	shalt  }
0x86: {  	_ =	shalt  }
0x87: {  	_ =	shalt  }
.Lfunc_end0:
.L_simem_size_0:
called_computation_lowered:
.L_overlay_start_0:
0x88: {  	s2 =	sld [smem:$0x3FD9]  }
0x89: {  	s3 =	sld [smem:$0x3FFE];
	_ =	sdelay $0x1  }
0x8a: {  	s1 =	srdreg.scid  }
0x8b: {  	s0 =	sand.u32 $0x1, s1  }
0x8c: {  	s14 =	sshll.u32 s0, $0xA;
	s2 =	sadd.s32 s3, s2  }
0x8d: {  	s2 =	sadd.s32 s2, s14  }
0x8e: {  	[smem:$0x3FC7] =	sst s2  }
0x8f: {  	_ = 	snop  }
0x90: {  	s2 =	sld [smem:$0x3FD0];
	_ =	sdelay $0x2  }
0x91: {  	s15 =	simm.s32 $0xA;
	s4 =	simm.s32 $0x10  }
0x92: {  	[smem:s4], [sflag:s15] =	dma.local [hbm:s2], $0x1  }
0x93: {  	_ =	swait.eq [sflag:s15], $0x1  }
0x94: {  	[sflag:s15] =	ssyncset.done $0x0  }
0x95: {  	s16 =	sld [smem:$0x10];
	[sflag:s15] =	ssyncadd.s32 $0xFFFFFFFF  }
0x96: {  	s17 =	sld [smem:$0x11];
	(tm) =	ssettm $0x1  }
0x97: {  	s18 =	sld [smem:$0x3FFB];
	_ =	sdelay $0x3  }
0x98: {  	_ =	strace s18  }
0x99: {  	s4 =	sld [smem:$0x3FFC];
	_ =	sdelay $0x3  }
0x9a: {  	_ =	strace s4  }
0x9b: {  	s4 =	sld [smem:$0x3FFD];
	_ =	sdelay $0x3  }
0x9c: {  	_ =	strace s4  }
0x9d: {  	_ =	strace $0x8FFFFFFF  }
0x9e: {  	s19 =	sld [smem:$0x3FDB];
	_ =	sdelay $0x1  }
0x9f: {  	s5 =	simm.s32 $_scs_section_size  }
0xa0: {  	s6 =	simm.s32 $_size__tile_overlayer_lowered;
	s7 =	simm.s32 $_tile_overlayer_lowered  }
0xa1: {  	s22 =	simm.s32 $0x1BFF;
	s21 =	sshll.u32 s7, $0x1;
	s4 =	sadd.s32 s5, s19  }
0xa2: {  	s8 =	simm.s32 $0x0;
	s20 =	sshll.u32 s6, $0x1;
	s6 =	sadd.s32 s21, s4  }
0xa3: {  	[timem:s8], [sflag:s22] =	dma.local [hbm:s6], s20  }
0xa4: {  	_ =	swait.ge [sflag:s22], s20  }
0xa5: {  	s5 =	ssub.s32 $0x0, s20;
	[sflag:s22] =	ssyncset.done $0x0  }
0xa6: {  	[sflag:s22] =	ssyncadd.s32 s5;
	_ =	sdelay $0x1  }
0xa7: {  	s23 =	simm.s32 $0x1B8B  }
0xa8: {  	_ =	swait.ge [sflag:s23], $0x1  }
0xa9: {  	[sflag:s23] =	ssyncset.done $0x0  }
0xaa: {  	s25 =	simm.s32 $0x1B8E;
	s24 =	sld [smem:$0x3FFE];
	[sflag:s23] =	ssyncadd.s32 $0xFFFFFFFF  }
0xab: {  	s26 =	simm.s32 $execute0_lowered;
	[smem:$0x3FD2] =	sst s25  }
0xac: {  	s6 =	sshll.u32 s26, $0x1;
	_ =	strace $0x80000046;
	[dreg:$0x1] =	wrdreg $0xFFFFFFFF  }
0xad: {  	s28 =	simm.s32 $_size_execute0_lowered;
	s4 =	sadd.s32 s4, s6;
	[dreg:$0x0] =	wrdreg $0x0  }
0xae: {  	s6 =	sshll.u32 s28, $0x1;
	[dreg:$0x2] =	wrdreg s4  }
0xaf: {  	[dreg:$0x3] =	wrdreg s6  }
0xb0: {  	[dreg:$0x4] =	wrdreg $0xC0  }
0xb1: {  	_ =	task [dreg:s8], $0x5FFFF  }
0xb2: {  	[dreg:$0x1] =	wrdreg $0xFFFFFFFF  }
0xb3: {  	[dreg:$0x0] =	wrdreg $0x60  }
0xb4: {  	[dreg:$0x2] =	wrdreg s24  }
0xb5: {  	[dreg:$0x3] =	wrdreg s16  }
0xb6: {  	[dreg:$0x4] =	wrdreg s17  }
0xb7: {  	[dreg:$0x5] =	wrdreg $0x9  }
0xb8: {  	_ =	task.clear_ibuf [dreg:s8], $0x6FFFF;
	_ =	strace $0x90000046  }
0xb9: {  	s29 =	simm.s32 $0x9;
	_ =	strace $0x80000048  }
0xba: {  	_ =	swait.ge [sflag:s29], $0x1  }
0xbb: {  	[sflag:s29] =	ssyncadd.s32 $0xFFFFFFFF  }
0xbc: {  	_ =	strace $0x90000048  }
0xbd: {  	_ =	sfence  }
0xbe: {  	s30 =	sld [smem:$0x0];
	_ =	sdelay $0x2  }
0xbf: {  	s31 =	sshll.u32 s1, $0xD;
	s1 =	sshrl.u32 s1, $0x2  }
0xc0: {  	s3 =	sand.u32 $0x4000, s31;
	s1 =	sadd.s32 s1, s30  }
0xc1: {  	s0 =	sor.u32 s3, s0;
	s1 =	sshll.u32 s1, $0x11  }
0xc2: {  	s0 =	sor.u32 s1, s0  }
0xc3: {  	s0 =	sadd.s32 $0x8F2B, s0  }
0xc4: {  	[sflag:s0] =	ssyncadd.remote.s32 $0x1  }
0xc5: {  	_ =	sfence.sel $0xFFFF  }
0xc6: {  	[dreg:$0x0] =	wrdreg $0xFFFFFFFF;
	(pc) =	sbr.abs _section_cstart, $3  }
0xc7: {  	[dreg:$0x1] =	wrdreg $0xFFFFFFFF  }
0xc8: {  	_ =	task.clear_ibuf [dreg:s8], $0x2FFFF;
	_ =	strace $0x9FFFFFFF  }
0xc9: {  	(tm) =	ssettm $0x7FFFFFFF  }
tec
execute0_lowered:
.L_overlay_start_1:
0x0: {  	(tag) =	ssettag $0x1  }
0x1: {  	s2 =	stileid.u32  }
0x2: {  	p0 =	sgt.u32 s2, $0x3  }
.Ltmp0:
0x3: {  	_ = 	snop;
	(pc) =	sbr.rel @p0 .LBB2_9-.Ltmp0, $4  }
0x4: {  	_ = 	snop  }
0x5: {  	s1 =	rddreg [dreg:$0x0];
	s3 =	simm.s32 $0x0  }
0x6: {  	[smem:$0x7FF] =	sst s3  }
0x7: {  	s0 =	rddreg [dreg:$0x2];
	_ =	strace $0x80000047  }
0x8: {  	s2 =	srdreg.scid;
	s4 =	stileid.u32;
	s11 =	sadd.s32 $0x800, s1  }
0x9: {  	s14 =	simm.s32 $0x1;
	s2 =	sand.u32 $0x1, s2;
	s4 =	sshll.u32 s4, $0x1  }
0xa: {  	s18 =	simm.s32 $0x8180;
	s19 =	simm.s32 $0x8380;
	s4 =	sor.u32 s2, s4  }
0xb: {  	s20 =	simm.s32 $0x8580;
	s21 =	simm.s32 $0x0;
	s5 =	smul.u32 $0x600, s4  }
0xc: {  	s22 =	simm.s32 $0x0;
	s2 =	ssub.s32 $0x2, s2;
	s6 =	smul.u32 $0x180, s4  }
0xd: {  	s10 =	sshll.u32 s4, $0x4;
	s8 =	smul.u32 $0x3, s4;
	s30 =	sshrl.u32 s2, $0x1  }
0xe: {  	s26 =	sadd.s32 s10, s1;
	s31 =	ssub.s32 s2, s30;
	s10 =	sadd.s32 s11, s10  }
0xf: {  	s5 =	sand.u32 $0x3000, s5;
	s6 =	sand.u32 $0x380, s6;
	s9 =	sadd.s32 $0x1, s8  }
0x10: {  	s8 =	sadd.s32 $0x2, s8;
	s11 =	smax.u32 s31, $0x1;
	s6 =	sor.u32 s6, s5  }
0x11: {  	s5 =	sadd.s32 $0x4800, s26;
	s28 =	sshll.u32 s9, $0x4;
	s9 =	sshll.u32 s9, $0x6  }
0x12: {  	s12 =	sshll.u32 s8, $0x4;
	s8 =	sshll.u32 s8, $0x6;
	s7 =	sshrl.u32 s6, $0x3  }
0x13: {  	s6 =	sadd.s32 $0x2800, s26;
	s1 =	sand.u32 $0x70, s28;
	s9 =	sand.u32 $0x3E00, s9  }
0x14: {  	s12 =	sand.u32 $0x70, s12;
	s13 =	sand.u32 $0x3E00, s8;
	s7 =	sadd.s32 s0, s7  }
0x15: {  	s1 =	sadd.s32 s0, s1;
	s29 =	sadd.s32 s0, s12;
	s12 =	simm.s32 $0x80  }
0x16: {  	v0 =	vimm.f32 $1.000000000e+10;
	v1 =	vlaneseq.u32;
	s8 =	sadd.s32 s9, s1;
	s9 =	sadd.s32 s13, s29;
	s13 =	simm.s32 $0x400  }
.LBB2_2:
0x17: {  	[tilespmem:s3], [sflag:$0x1] =	stream.strided.gather [hbm4b:s10+s12], $0x2000, s13, s12, $0x38;
	[tilespmem:$0x8800] =	vst v63  }
0x18: {  	_ =	swait.ge [sflag:s14], $0x2000  }
0x19: {  	[sflag:s14] =	ssyncset.done $0x0  }
0x1a: {  	s0 =	simm.s32 $0x2080;
	[sflag:s14] =	ssyncadd.s32 $0xFFFFE000  }
0x1b: {  	[tilespmem:s0], [sflag:$0x1] =	stream.strided.gather [hbm4b:s5+s12], $0x2000, s13, s12, $0x38;
	[tilespmem:$0x8800] =	vst v63  }
0x1c: {  	_ =	swait.ge [sflag:s14], $0x2000  }
0x1d: {  	[sflag:s14] =	ssyncset.done $0x0  }
0x1e: {  	s30 =	simm.s32 $0x4100;
	[sflag:s14] =	ssyncadd.s32 $0xFFFFE000  }
0x1f: {  	[tilespmem:s30], [sflag:$0x1] =	stream.strided.gather [hbm4b:s6+s12], $0x2000, s13, s12, $0x38;
	[tilespmem:$0x8800] =	vst v63  }
0x20: {  	_ =	swait.ge [sflag:s14], $0x2000  }
0x21: {  	[sflag:s14] =	ssyncset.done $0x0  }
0x22: {  	[sflag:s14] =	ssyncadd.s32 $0xFFFFE000  }
0x23: {  	s1 =	simm.s32 $0x8780;
	s31 =	rddreg [dreg:$0x1]  }
0x24: {  	[tilespmem:s1], [sflag:$0x1] =	stream.linear.gather [hbm4b:s31+s3], $0x80, $0x38;
	[tilespmem:$0x8800] =	vst v63  }
0x25: {  	_ =	swait.ge [sflag:s14], $0x80  }
0x26: {  	[sflag:s14] =	ssyncset.done $0x0  }
0x27: {  	s0 =	simm.s32 $0x61C0;
	[sflag:s14] =	ssyncadd.s32 $0xFFFFFF80  }
0x28: {  	[tilespmem:s0+$0xFFFFFFC0] =	vst v0  }
0x29: {  	[tilespmem:s0+$0x30] =	vst v0  }
0x2a: {  	[tilespmem:s0+$0x20] =	vst v0  }
0x2b: {  	[tilespmem:s0+$0x10] =	vst v0  }
0x2c: {  	[tilespmem:s0+$0x0] =	vst v0  }
0x2d: {  	[tilespmem:s0+$0xFFFFFFF0] =	vst v0  }
0x2e: {  	s1 =	simm.s32 $0x0;
	[tilespmem:s0+$0xFFFFFFE0] =	vst v0  }
.LBB2_3:
0x2f: {  	s1 =	sadd.s32 $0x8, s1;
	[tilespmem:s0+$0xFFFFFFD0] =	vst v0;
	s0 =	sadd.s32 $0x80, s0  }
0x30: {  	[tilespmem:s0+$0xFFFFFFC0] =	vst v0;
	p0 =	slt.u32 s1, $0x1F8  }
0x31: {  	[tilespmem:s0+$0x30] =	vst v0  }
.Ltmp1:
0x32: {  	[tilespmem:s0+$0x20] =	vst v0;
	(pc) =	sbr.rel @p0 .LBB2_3-.Ltmp1, $4  }
0x33: {  	[tilespmem:s0+$0x10] =	vst v0  }
0x34: {  	[tilespmem:s0+$0x0] =	vst v0  }
0x35: {  	[tilespmem:s0+$0xFFFFFFF0] =	vst v0  }
0x36: {  	[tilespmem:s0+$0xFFFFFFE0] =	vst v0  }
0x37: {  	[tilespmem:s0+$0xFFFFFFD0] =	vst v0  }
0x38: {  	v2 =	vld [tilespmem:s4+$0x8780];
	_ =	sdelay $0x4  }
0x39: {  	(v2sf) =	vpush v2, $0x0;
	_ =	sdelay $0xe  }
0x3a: {  	s23 =	simm.s32 $0x0;
	s0 =	spop (v2sf)  }
.LBB2_5:
0x3b: {  	v3 =	vld.msk [tilespmem:s0+$0x0 ss:$0x0], $0xffff  }
0x3c: {  	v4 =	vld.msk [tilespmem:s0+$0x2080 ss:$0x0], $0xffff  }
0x3d: {  	s1 =	sand.u32 $0x1F0, s23;
	v2 =	vld.msk [tilespmem:s0+$0x4100 ss:$0x0], $0xffff  }
0x3e: {  	v5 =	vld [tilespmem:s1+$0x8180]  }
0x3f: {  	v6 =	vld [tilespmem:s1+$0x8380]  }
0x40: {  	s16 =	sand.u32 $0xF, s23;
	v7 =	vld [tilespmem:s1+$0x8580]  }
0x41: {  	v8 =	vmov s16  }
0x42: {  	vm0 =	veq.s32 v8, v1  }
0x43: {  	v5 =	vsel vm0, v3, v5  }
0x44: {  	[tilespmem:s1+$0x8180] =	vst v5;
	v5 =	vsel vm0, v4, v6  }
0x45: {  	[tilespmem:s1+$0x8380] =	vst v5;
	v5 =	vsel vm0, v2, v7  }
0x46: {  	[tilespmem:s1+$0x8580] =	vst v5;
	s1 =	simm.s32 $0x40  }
0x47: {  	s0 =	simm.s32 $0x20C0;
	v5 =	vld [tilespmem:s1+$0xFFFFFFC0]  }
0x48: {  	v6 =	vld [tilespmem:s0+$0xFFFFFFC0]  }
0x49: {  	s2 =	simm.s32 $0x4140  }
0x4a: {  	v7 =	vld [tilespmem:s2+$0xFFFFFFC0];
	_ =	sdelay $0x2  }
0x4b: {  	v5 =	vsub.f32 v5, v3;
	v6 =	vsub.f32 v6, v4;
	_ =	sdelay $0x1  }
0x4c: {  	s24 =	simm.s32 $0x61C0;
	v7 =	vsub.f32 v7, v2;
	v5 =	vmul.f32 v5, v5;
	v6 =	vmul.f32 v6, v6  }
0x4d: {  	v8 =	vld [tilespmem:s24+$0xFFFFFFC0]  }
0x4e: {  	v9 =	vld [tilespmem:s0+$0x0];
	v5 =	vadd.f32 v6, v5;
	v6 =	vmul.f32 v7, v7  }
0x4f: {  	v7 =	vld [tilespmem:s1+$0x0]  }
0x50: {  	v5 =	vadd.f32 v6, v5  }
0x51: {  	v6 =	vld [tilespmem:s2+$0x0]  }
0x52: {  	v8 =	vmin.f32 v8, v5  }
0x53: {  	[tilespmem:s24+$0xFFFFFFC0] =	vst v8  }
0x54: {  	v5 =	vsub.f32 v9, v4;
	v7 =	vsub.f32 v7, v3;
	v9 =	vld [tilespmem:s1+$0xFFFFFFD0]  }
0x55: {  	v10 =	vld [tilespmem:s0+$0xFFFFFFD0]  }
0x56: {  	v5 =	vmul.f32 v5, v5;
	v6 =	vsub.f32 v6, v2;
	v7 =	vmul.f32 v7, v7  }
0x57: {  	v11 =	vld [tilespmem:s24+$0x0]  }
0x58: {  	v12 =	vld [tilespmem:s2+$0xFFFFFFD0];
	v5 =	vadd.f32 v5, v7;
	v6 =	vmul.f32 v6, v6  }
0x59: {  	v7 =	vsub.f32 v9, v3  }
0x5a: {  	v5 =	vadd.f32 v6, v5;
	v6 =	vsub.f32 v10, v4;
	_ =	sdelay $0x1  }
0x5b: {  	v7 =	vmul.f32 v7, v7;
	v6 =	vmul.f32 v6, v6;
	v10 =	vmin.f32 v11, v5  }
0x5c: {  	v9 =	vsub.f32 v12, v2;
	v11 =	vld [tilespmem:s24+$0xFFFFFFD0];
	[tilespmem:s24+$0x0] =	vst v10  }
0x5d: {  	v5 =	vadd.f32 v6, v7;
	v7 =	vld [tilespmem:s0+$0x10]  }
0x5e: {  	v6 =	vmul.f32 v9, v9;
	v9 =	vld [tilespmem:s1+$0x10];
	_ =	sdelay $0x1  }
0x5f: {  	v12 =	vld [tilespmem:s2+$0x10];
	v6 =	vadd.f32 v6, v5  }
0x60: {  	s28 =	simm.s32 $0xC0;
	v13 =	vld [tilespmem:s24+$0x10];
	v5 =	vimm.f32 $-3.000000010e+38  }
0x61: {  	s30 =	simm.s32 $0x41C0;
	v17 =	vld [tilespmem:s28+$0xFFFFFFC0];
	vm12 =	vgt.f32 v8, v5;
	v11 =	vmin.f32 v11, v6  }
0x62: {  	v20 =	vld [tilespmem:s30+$0xFFFFFFC0];
	v8 =	vsel vm12, v8, v5;
	[tilespmem:s24+$0xFFFFFFD0] =	vst v11;
	v9 =	vsub.f32 v9, v3;
	v7 =	vsub.f32 v7, v4  }
0x63: {  	v15 =	vor.u32 s22, v1;
	v6 =	vimm.s32 $0x0;
	vm1 =	vgt.f32 v10, v8;
	v14 =	vld [tilespmem:s1+$0xFFFFFFE0]  }
0x64: {  	s15 =	simm.s32 $0x40;
	s29 =	simm.s32 $0x2140;
	v12 =	vsub.f32 v12, v2;
	v16 =	vld [tilespmem:s0+$0xFFFFFFE0];
	v9 =	vmul.f32 v9, v9;
	v7 =	vmul.f32 v7, v7  }
0x65: {  	v18 =	vor.u32 s15, v1;
	v15 =	vsel vm12, v15, v6;
	v10 =	vsel vm1, v10, v8;
	v8 =	vld [tilespmem:s29+$0xFFFFFFC0]  }
0x66: {  	v15 =	vsel vm1, v18, v15;
	v18 =	vld [tilespmem:s2+$0xFFFFFFE0];
	v12 =	vmul.f32 v12, v12;
	v9 =	vadd.f32 v7, v9  }
0x67: {  	s25 =	simm.s32 $0x10  }
0x68: {  	s26 =	simm.s32 $0x50;
	v19 =	vor.u32 s25, v1;
	v17 =	vsub.f32 v17, v3;
	v9 =	vadd.f32 v12, v9  }
0x69: {  	v21 =	vor.u32 s26, v1;
	v12 =	vsub.f32 v14, v3;
	v14 =	vsub.f32 v16, v4  }
0x6a: {  	v22 =	vld [tilespmem:s29+$0x0];
	v20 =	vsub.f32 v20, v2;
	v8 =	vsub.f32 v8, v4;
	v9 =	vmin.f32 v13, v9  }
0x6b: {  	s25 =	simm.s32 $0x6240;
	v16 =	vld [tilespmem:s24+$0xFFFFFFE0];
	v12 =	vmul.f32 v12, v12;
	v13 =	vmul.f32 v14, v14;
	v14 =	vsub.f32 v18, v2  }
0x6c: {  	v17 =	vmul.f32 v17, v17;
	vm13 =	vgt.f32 v11, v5;
	v18 =	vld [tilespmem:s25+$0xFFFFFFC0];
	v8 =	vmul.f32 v8, v8;
	[tilespmem:s24+$0x10] =	vst v9  }
0x6d: {  	v19 =	vsel vm13, v19, v6;
	v23 =	vld [tilespmem:s0+$0x20];
	v12 =	vadd.f32 v13, v12;
	v13 =	vmul.f32 v14, v14  }
0x6e: {  	s17 =	simm.s32 $0xC0;
	v11 =	vsel vm13, v11, v5;
	v14 =	vld [tilespmem:s1+$0x20];
	v8 =	vadd.f32 v8, v17;
	v17 =	vmul.f32 v20, v20  }
0x6f: {  	v7 =	vor.u32 s17, v1;
	vm0 =	vgt.f32 v9, v11;
	v20 =	vld [tilespmem:s28+$0x0];
	v12 =	vadd.f32 v13, v12  }
0x70: {  	s16 =	simm.s32 $0x60;
	s17 =	simm.s32 $0x20;
	v9 =	vsel vm0, v9, v11;
	v11 =	vsel vm0, v21, v19;
	v21 =	vld [tilespmem:s2+$0x20];
	v13 =	vadd.f32 v17, v8  }
0x71: {  	s26 =	simm.s32 $0x80;
	v26 =	vor.u32 s16, v1;
	v24 =	vld [tilespmem:s25+$0x0];
	v27 =	vor.u32 s17, v1;
	v12 =	vmin.f32 v16, v12  }
0x72: {  	v19 =	vsub.f32 v22, v4;
	v22 =	vor.u32 s26, v1;
	v17 =	vld [tilespmem:s30+$0x0];
	v18 =	vmin.f32 v18, v13;
	[tilespmem:s24+$0xFFFFFFE0] =	vst v12  }
0x73: {  	s31 =	simm.s32 $0x70;
	v16 =	vsub.f32 v23, v4;
	v14 =	vsub.f32 v14, v3;
	[tilespmem:s25+$0xFFFFFFC0] =	vst v18;
	vm15 =	vgt.f32 v18, v10;
	v25 =	vld [tilespmem:s1+$0xFFFFFFF0]  }
0x74: {  	v8 =	vor.u32 s31, v1;
	v20 =	vsub.f32 v20, v3;
	v13 =	vsel vm15, v22, v15;
	v15 =	vld [tilespmem:s28+$0xFFFFFFD0]  }
0x75: {  	v21 =	vsub.f32 v21, v2;
	v22 =	vld [tilespmem:s29+$0xFFFFFFD0];
	v16 =	vmul.f32 v16, v16;
	v14 =	vmul.f32 v14, v14  }
0x76: {  	v19 =	vmul.f32 v19, v19;
	v23 =	vld [tilespmem:s24+$0x20];
	vm14 =	vgt.f32 v12, v5;
	v20 =	vmul.f32 v20, v20  }
0x77: {  	v28 =	vld [tilespmem:s0+$0xFFFFFFF0];
	v17 =	vsub.f32 v17, v2;
	v21 =	vmul.f32 v21, v21;
	v16 =	vadd.f32 v16, v14  }
0x78: {  	v27 =	vsel vm14, v27, v6;
	v14 =	vsel vm15, v18, v10;
	v10 =	vld [tilespmem:s30+$0xFFFFFFD0];
	v18 =	vadd.f32 v19, v20  }
0x79: {  	v17 =	vmul.f32 v17, v17;
	v19 =	vsub.f32 v25, v3;
	v25 =	vld [tilespmem:s2+$0xFFFFFFF0];
	v16 =	vadd.f32 v21, v16  }
0x7a: {  	v12 =	vsel vm14, v12, v5;
	v20 =	vsub.f32 v15, v3;
	v21 =	vsub.f32 v22, v4  }
0x7b: {  	v18 =	vadd.f32 v17, v18;
	v15 =	vld [tilespmem:s24+$0xFFFFFFF0];
	v17 =	vmul.f32 v19, v19;
	v19 =	vmin.f32 v23, v16  }
0x7c: {  	v29 =	vmul.f32 v20, v20;
	v20 =	vld [tilespmem:s25+$0xFFFFFFD0];
	v23 =	vsub.f32 v28, v4;
	v21 =	vmul.f32 v21, v21;
	[tilespmem:s24+$0x20] =	vst v19  }
0x7d: {  	v16 =	vmin.f32 v24, v18;
	vm0 =	vgt.f32 v19, v12;
	v63 =	vsub.f32 v10, v2;
	v18 =	vld [tilespmem:s2+$0x30]  }
0x7e: {  	s15 =	simm.s32 $0x100;
	s31 =	simm.s32 $0x41C0;
	v23 =	vmul.f32 v23, v23;
	v10 =	vsel vm0, v19, v12;
	v19 =	vld [tilespmem:s1+$0x30];
	v22 =	vsub.f32 v25, v2  }
0x7f: {  	[tilespmem:s25+$0x0] =	vst v16;
	s2 =	simm.s32 $0x0;
	v24 =	vadd.f32 v21, v29;
	v12 =	vsel vm0, v26, v27;
	v21 =	vld [tilespmem:s0+$0x30];
	s0 =	simm.s32 $0x2140;
	s1 =	simm.s32 $0xC0;
	v25 =	vmul.f32 v63, v63  }
.LBB2_6:
0x80: {  	p0 =	slt.u32 s15, $0x1F80;
	vm0 =	vgt.f32 v16, v14;
	v26 =	vld [tilespmem:s29+$0x10];
	v17 =	vadd.f32 v23, v17;
	v22 =	vmul.f32 v22, v22;
	s16 =	smov.u32 s15;
	s15 =	sadd.s32 $0x80, s15  }
0x81: {  	s17 =	sadd.s32 $0x40, s16;
	v23 =	vadd.f32 v25, v24;
	v14 =	vsel vm0, v16, v14;
	v13 =	vsel vm0, v7, v13;
	v16 =	vld [tilespmem:s28+$0x10]  }
0x82: {  	v7 =	vor.u32 s17, v1;
	s17 =	sadd.s32 $0x10, s26;
	v17 =	vadd.f32 v22, v17;
	v18 =	vsub.f32 v18, v2;
	v22 =	vld [tilespmem:s24+$0x30]  }
0x83: {  	v20 =	vmin.f32 v20, v23;
	v23 =	vor.u32 s17, v1;
	v24 =	vld [tilespmem:s30+$0x10];
	v19 =	vsub.f32 v19, v3  }
0x84: {  	[tilespmem:s25+$0xFFFFFFD0] =	vst v20;
	v25 =	vld [tilespmem:s25+$0x10];
	v15 =	vmin.f32 v15, v17;
	v17 =	vsub.f32 v21, v4;
	v18 =	vmul.f32 v18, v18  }
0x85: {  	vm1 =	vgt.f32 v20, v9;
	v21 =	vld [tilespmem:s28+$0xFFFFFFE0];
	[tilespmem:s24+$0xFFFFFFF0] =	vst v15;
	vm0 =	vgt.f32 v15, v5;
	v19 =	vmul.f32 v19, v19  }
0x86: {  	s2 =	sadd.s32 $0x30, s2;
	s17 =	sadd.s32 $0x50, s26;
	v26 =	vsub.f32 v26, v4;
	s28 =	sadd.s32 $0x80, s28;
	v27 =	vld [tilespmem:s29+$0xFFFFFFE0];
	v16 =	vsub.f32 v16, v3;
	v17 =	vmul.f32 v17, v17  }
0x87: {  	v29 =	vor.u32 s2, v1;
	s2 =	smov.u32 s26;
	s26 =	smov.u32 s16;
	v11 =	vsel vm1, v23, v11;
	v23 =	vor.u32 s17, v1;
	s29 =	sadd.s32 $0x80, s29;
	v28 =	vld [tilespmem:s28+$0xFFFFFFC0]  }
0x88: {  	v26 =	vmul.f32 v26, v26;
	v30 =	vld [tilespmem:s29+$0xFFFFFFC0];
	v24 =	vsub.f32 v24, v2;
	v16 =	vmul.f32 v16, v16  }
0x89: {  	s30 =	sadd.s32 $0x80, s30;
	v9 =	vsel vm1, v20, v9;
	v6 =	vsel vm0, v29, v6;
	v17 =	vadd.f32 v17, v19;
	v20 =	vld [tilespmem:s31+$0xFFFFFFE0]  }
0x8a: {  	v19 =	vld [tilespmem:s30+$0xFFFFFFC0];
	v21 =	vsub.f32 v21, v3;
	v16 =	vadd.f32 v26, v16;
	v24 =	vmul.f32 v24, v24  }
0x8b: {  	v5 =	vsel vm0, v15, v5;
	v15 =	vadd.f32 v18, v17;
	v26 =	vsub.f32 v27, v4  }
0x8c: {  	v17 =	vsub.f32 v28, v3;
	v18 =	vmul.f32 v21, v21;
	v16 =	vadd.f32 v24, v16  }
0x8d: {  	v15 =	vmin.f32 v22, v15;
	v21 =	vsub.f32 v30, v4;
	v24 =	vmul.f32 v26, v26;
	v26 =	vld [tilespmem:s25+$0xFFFFFFE0]  }
0x8e: {  	vm0 =	vgt.f32 v15, v5;
	v22 =	vld [tilespmem:s29+$0x0];
	v20 =	vsub.f32 v20, v2;
	v16 =	vmin.f32 v25, v16;
	[tilespmem:s24+$0x30] =	vst v15;
	s24 =	smov.u32 s25;
	s25 =	sadd.s32 $0x80, s25  }
0x8f: {  	v17 =	vmul.f32 v17, v17;
	v5 =	vsel vm0, v15, v5;
	v21 =	vmul.f32 v21, v21;
	v25 =	vld [tilespmem:s25+$0xFFFFFFC0];
	[tilespmem:s24+$0x10] =	vst v16  }
0x90: {  	v6 =	vsel vm0, v8, v6;
	v15 =	vsub.f32 v19, v2;
	v18 =	vadd.f32 v24, v18;
	v19 =	vld [tilespmem:s0+$0x20]  }
0x91: {  	vm0 =	vgt.f32 v16, v9;
	v8 =	vadd.f32 v21, v17;
	v17 =	vmul.f32 v20, v20;
	v20 =	vld [tilespmem:s1+$0x20]  }
0x92: {  	v9 =	vsel vm0, v16, v9;
	v11 =	vsel vm0, v23, v11;
	v15 =	vmul.f32 v15, v15;
	v21 =	vld [tilespmem:s28+$0x0]  }
0x93: {  	s16 =	sadd.s32 $0x60, s2;
	s17 =	sadd.s32 $0x70, s2;
	v16 =	vsub.f32 v22, v4;
	v17 =	vadd.f32 v17, v18;
	v18 =	vld [tilespmem:s31+$0x20]  }
0x94: {  	v27 =	vor.u32 s16, v1;
	v15 =	vadd.f32 v15, v8;
	v8 =	vor.u32 s17, v1;
	v22 =	vld [tilespmem:s30+$0x0]  }
0x95: {  	v23 =	vor.u32 s26, v1;
	v17 =	vmin.f32 v26, v17;
	v19 =	vsub.f32 v19, v4;
	v24 =	vld [tilespmem:s24+$0x20]  }
0x96: {  	v15 =	vmin.f32 v25, v15;
	v25 =	vld [tilespmem:s25+$0x0];
	[tilespmem:s24+$0xFFFFFFE0] =	vst v17;
	vm0 =	vgt.f32 v17, v10;
	v20 =	vsub.f32 v20, v3  }
0x97: {  	vm1 =	vgt.f32 v15, v14;
	[tilespmem:s25+$0xFFFFFFC0] =	vst v15;
	v21 =	vsub.f32 v21, v3;
	v26 =	vld [tilespmem:s1+$0xFFFFFFF0];
	v19 =	vmul.f32 v19, v19  }
0x98: {  	v13 =	vsel vm1, v23, v13;
	v23 =	vld [tilespmem:s28+$0xFFFFFFD0];
	v18 =	vsub.f32 v18, v2;
	v20 =	vmul.f32 v20, v20  }
0x99: {  	s16 =	sadd.s32 $0x20, s2;
	v16 =	vmul.f32 v16, v16;
	v28 =	vld [tilespmem:s29+$0xFFFFFFD0];
	v22 =	vsub.f32 v22, v2;
	v21 =	vmul.f32 v21, v21  }
0x9a: {  	v29 =	vor.u32 s16, v1;
	v30 =	vld [tilespmem:s0+$0xFFFFFFF0];
	v19 =	vadd.f32 v19, v20;
	v18 =	vmul.f32 v18, v18  }
0x9b: {  	v14 =	vsel vm1, v15, v14;
	v31 =	vld [tilespmem:s30+$0xFFFFFFD0];
	v15 =	vadd.f32 v16, v21;
	v16 =	vmul.f32 v22, v22  }
0x9c: {  	v12 =	vsel vm0, v29, v12;
	v20 =	vsub.f32 v26, v3;
	v21 =	vld [tilespmem:s31+$0xFFFFFFF0];
	v18 =	vadd.f32 v18, v19  }
0x9d: {  	v10 =	vsel vm0, v17, v10;
	v19 =	vsub.f32 v23, v3;
	v16 =	vadd.f32 v16, v15  }
.Ltmp2:
0x9e: {  	v22 =	vsub.f32 v28, v4;
	v17 =	vmul.f32 v20, v20;
	v15 =	vld [tilespmem:s24+$0xFFFFFFF0];
	v24 =	vmin.f32 v24, v18;
	(pc) =	sbr.rel @p0 .LBB2_6-.Ltmp2, $4  }
0x9f: {  	v26 =	vmul.f32 v19, v19;
	v20 =	vld [tilespmem:s25+$0xFFFFFFD0];
	v19 =	vsub.f32 v30, v4;
	[tilespmem:s24+$0x20] =	vst v24;
	vm0 =	vgt.f32 v24, v10  }
0xa0: {  	v16 =	vmin.f32 v25, v16;
	v28 =	vsub.f32 v31, v2;
	v29 =	vmul.f32 v22, v22;
	v18 =	vld [tilespmem:s31+$0x30];
	s31 =	smov.u32 s30  }
0xa1: {  	v10 =	vsel vm0, v24, v10;
	[tilespmem:s25+$0x0] =	vst v16;
	v22 =	vsub.f32 v21, v2;
	v23 =	vmul.f32 v19, v19;
	v19 =	vld [tilespmem:s1+$0x30];
	s1 =	smov.u32 s28  }
0xa2: {  	v12 =	vsel vm0, v27, v12;
	v24 =	vadd.f32 v29, v26;
	v25 =	vmul.f32 v28, v28;
	v21 =	vld [tilespmem:s0+$0x30];
	s0 =	smov.u32 s29  }
0xa3: {  	v26 =	vld [tilespmem:s29+$0x10]  }
0xa4: {  	v27 =	vld [tilespmem:s28+$0x10];
	_ =	sdelay $0x1  }
0xa5: {  	v28 =	vld [tilespmem:s30+$0x10];
	_ =	sdelay $0x2  }
0xa6: {  	v27 =	vsub.f32 v27, v3;
	v26 =	vsub.f32 v26, v4;
	_ =	sdelay $0x1  }
0xa7: {  	v28 =	vsub.f32 v28, v2;
	v27 =	vmul.f32 v27, v27;
	v26 =	vmul.f32 v26, v26  }
0xa8: {  	v58 =	vld [tilespmem:s25+$0x10];
	v24 =	vadd.f32 v25, v24  }
0xa9: {  	v59 =	vmul.f32 v28, v28;
	v26 =	vadd.f32 v26, v27  }
0xaa: {  	v20 =	vmin.f32 v20, v24  }
0xab: {  	[tilespmem:s25+$0xFFFFFFD0] =	vst v20;
	v60 =	vadd.f32 v59, v26  }
0xac: {  	v61 =	vld [tilespmem:s28+$0xFFFFFFE0]  }
0xad: {  	v62 =	vld [tilespmem:s29+$0xFFFFFFE0];
	v24 =	vmin.f32 v58, v60  }
0xae: {  	v63 =	vld [tilespmem:s31+$0xFFFFFFE0];
	[tilespmem:s25+$0x10] =	vst v24  }
0xaf: {  	v33 =	vld [tilespmem:s0+$0x20]  }
0xb0: {  	v29 =	vld [tilespmem:s1+$0x20];
	_ =	sdelay $0x1  }
0xb1: {  	v27 =	vsub.f32 v62, v4;
	v26 =	vsub.f32 v61, v3;
	v30 =	vld [tilespmem:s31+$0x20]  }
0xb2: {  	v17 =	vadd.f32 v23, v17  }
0xb3: {  	v25 =	vsub.f32 v63, v2;
	v27 =	vmul.f32 v27, v27;
	v26 =	vmul.f32 v26, v26  }
0xb4: {  	v31 =	vld [tilespmem:s25+$0xFFFFFFE0];
	v28 =	vsub.f32 v33, v4;
	v29 =	vsub.f32 v29, v3  }
0xb5: {  	vm0 =	vgt.f32 v16, v14;
	v25 =	vmul.f32 v25, v25;
	v26 =	vadd.f32 v27, v26  }
0xb6: {  	v36 =	vsub.f32 v30, v2;
	v34 =	vmul.f32 v28, v28;
	v35 =	vmul.f32 v29, v29  }
0xb7: {  	v38 =	vld [tilespmem:s25+$0x20];
	v22 =	vmul.f32 v22, v22;
	v14 =	vsel vm0, v16, v14;
	v25 =	vadd.f32 v25, v26  }
0xb8: {  	v7 =	vsel vm0, v7, v13;
	v23 =	vmul.f32 v36, v36;
	v37 =	vadd.f32 v34, v35  }
0xb9: {  	s15 =	sadd.s32 $0x10, s26;
	v19 =	vsub.f32 v19, v3;
	v21 =	vsub.f32 v21, v4;
	v25 =	vmin.f32 v31, v25  }
0xba: {  	v39 =	vld [tilespmem:s24+$0x30];
	v42 =	vor.u32 s15, v1;
	v18 =	vsub.f32 v18, v2;
	[tilespmem:s25+$0xFFFFFFE0] =	vst v25;
	v23 =	vadd.f32 v23, v37  }
0xbb: {  	s2 =	sadd.s32 $0x30, s2;
	s16 =	sadd.s32 $0x50, s26;
	v17 =	vadd.f32 v22, v17;
	v19 =	vmul.f32 v19, v19;
	v21 =	vmul.f32 v21, v21;
	v40 =	vld [tilespmem:s1+$0xFFFFFFF0]  }
0xbc: {  	v46 =	vor.u32 s2, v1;
	v50 =	vor.u32 s16, v1;
	v41 =	vld [tilespmem:s0+$0xFFFFFFF0];
	v23 =	vmin.f32 v38, v23  }
0xbd: {  	s17 =	sadd.s32 $0x60, s26;
	v18 =	vmul.f32 v18, v18;
	v15 =	vmin.f32 v15, v17;
	v19 =	vadd.f32 v21, v19;
	v43 =	vld [tilespmem:s31+$0xFFFFFFF0];
	[tilespmem:s25+$0x20] =	vst v23  }
0xbe: {  	v55 =	vor.u32 s17, v1;
	vm13 =	vgt.f32 v20, v9;
	vm1 =	vgt.f32 v15, v5;
	v45 =	vld [tilespmem:s1+$0x30]  }
0xbf: {  	v11 =	vsel vm13, v42, v11;
	v9 =	vsel vm13, v20, v9;
	s28 =	sadd.s32 $0x70, s26;
	v44 =	vadd.f32 v18, v19;
	v47 =	vld [tilespmem:s0+$0x30]  }
0xc0: {  	v5 =	vsel vm1, v15, v5;
	v6 =	vsel vm1, v46, v6;
	v57 =	vor.u32 s28, v1  }
0xc1: {  	s30 =	sadd.s32 $0x30, s26;
	s29 =	sadd.s32 $0x20, s26;
	v17 =	vmin.f32 v39, v44;
	v48 =	vsub.f32 v40, v3;
	v21 =	vsub.f32 v41, v4;
	v49 =	vld [tilespmem:s31+$0x30]  }
0xc2: {  	v59 =	vor.u32 s30, v1;
	vm14 =	vgt.f32 v17, v5;
	v58 =	vor.u32 s29, v1  }
0xc3: {  	v16 =	vsub.f32 v43, v2;
	v51 =	vmul.f32 v48, v48;
	v52 =	vmul.f32 v21, v21  }
0xc4: {  	v5 =	vsel vm14, v17, v5;
	v3 =	vsub.f32 v45, v3;
	v53 =	vsub.f32 v47, v4  }
0xc5: {  	v54 =	vld [tilespmem:s25+$0xFFFFFFF0];
	vm15 =	vgt.f32 v24, v9;
	v16 =	vmul.f32 v16, v16;
	v13 =	vadd.f32 v52, v51  }
0xc6: {  	v2 =	vsub.f32 v49, v2;
	v3 =	vmul.f32 v3, v3;
	v4 =	vmul.f32 v53, v53  }
0xc7: {  	v56 =	vld [tilespmem:s25+$0x30];
	v6 =	vsel vm14, v8, v6;
	v9 =	vsel vm15, v24, v9;
	v11 =	vsel vm15, v50, v11  }
0xc8: {  	v13 =	vadd.f32 v16, v13;
	v2 =	vmul.f32 v2, v2;
	v3 =	vadd.f32 v4, v3  }
0xc9: {  	vm8 =	vgt.f32 v9, v14;
	vm9 =	veq.f32 v9, v14;
	vm4 =	vgt.f32 v25, v10  }
0xca: {  	v10 =	vsel vm4, v25, v10;
	v8 =	vmin.f32 v54, v13;
	v2 =	vadd.f32 v2, v3  }
0xcb: {  	vm2 =	vlt.s32 v11, v7;
	vm5 =	vgt.f32 v23, v10;
	vm6 =	vgt.f32 v8, v5  }
0xcc: {  	v10 =	vsel vm5, v23, v10;
	v5 =	vsel vm6, v8, v5;
	v2 =	vmin.f32 v56, v2  }
0xcd: {  	v6 =	vsel vm6, v59, v6;
	v3 =	vsel vm4, v58, v12;
	vm7 =	vgt.f32 v2, v5  }
0xce: {  	v3 =	vsel vm5, v55, v3;
	v5 =	vsel vm7, v2, v5;
	v4 =	vsel vm7, v57, v6  }
0xcf: {  	vm1 =	vmand vm9, vm2;
	vm10 =	veq.f32 v5, v10;
	vm3 =	vlt.s32 v4, v3  }
0xd0: {  	vm0 =	vmor vm8, vm1;
	vm12 =	vgt.f32 v5, v10;
	vm11 =	vmand vm10, vm3  }
0xd1: {  	v60 =	vsel vm0, v9, v14;
	vm1 =	vmor vm12, vm11  }
0xd2: {  	v7 =	vsel vm0, v11, v7;
	v5 =	vsel vm1, v5, v10;
	v3 =	vsel vm1, v4, v3  }
0xd3: {  	vm13 =	veq.f32 v5, v60;
	vm1 =	vlt.s32 v3, v7  }
0xd4: {  	vm14 =	vgt.f32 v5, v60;
	vm0 =	vmand vm13, vm1  }
0xd5: {  	vm0 =	vmor vm14, vm0  }
0xd6: {  	v61 =	vsel vm0, v5, v60;
	v3 =	vsel vm0, v3, v7  }
0xd7: {  	(xrf1) =	vsort.dscd.msk.f32 $0xffff, v61, v3;
	_ =	sdelay $0xd  }
0xd8: {  	v62, _, _ =	vpop (xrf1)  }
0xd9: {  	v5 =	vbroadcast v62, $0x0;
	_ =	sdelay $0x1  }
0xda: {  	vm15 =	veq.f32 v61, v5  }
0xdb: {  	v3 =	vnsel vm15, $0x2000, v3  }
0xdc: {  	v63 =	vxor.u32 $0x80000000, v3  }
0xdd: {  	(xrf1) =	vsort.ascd.msk.u32 $0xffff, v63, v3;
	_ =	sdelay $0xd  }
0xde: {  	v3, _, _ =	vpop (xrf1)  }
0xdf: {  	(v2sf) =	vpush v3, $0x0;
	_ =	sdelay $0x9  }
0xe0: {  	s23 =	sadd.s32 $0x1, s23  }
0xe1: {  	p0 =	sne.s32 s23, $0x200  }
.Ltmp3:
0xe2: {  	_ = 	snop;
	(pc) =	sbr.rel @p0 .LBB2_5-.Ltmp3, $4  }
0xe3: {  	[tilespmem:s24+$0xFFFFFFF0] =	vst v15  }
0xe4: {  	[tilespmem:s24+$0x30] =	vst v17  }
0xe5: {  	[tilespmem:s25+$0xFFFFFFF0] =	vst v8;
	s31 =	spop (v2sf)  }
0xe6: {  	[tilespmem:s25+$0x30] =	vst v2;
	s0 =	sxor.u32 $0x80000000, s31  }
0xe7: {  	[hbm4b:s7+s12] =	stream.strided.scatter [tilespmem:s18], [sflag:$0x1], $0x200, s13, s12, $0x38;
	[tilespmem:$0x8800] =	vst v63  }
0xe8: {  	_ =	swait.ge [sflag:s14], $0x200  }
0xe9: {  	[sflag:s14] =	ssyncset.done $0x0  }
0xea: {  	[sflag:s14] =	ssyncadd.s32 $0xFFFFFE00  }
0xeb: {  	[hbm4b:s8+s12] =	stream.strided.scatter [tilespmem:s19], [sflag:$0x1], $0x200, s13, s12, $0x38;
	[tilespmem:$0x8800] =	vst v63  }
0xec: {  	s21 =	sadd.s32 $0x1, s21;
	_ =	swait.ge [sflag:s14], $0x200  }
0xed: {  	p0 =	sne.s32 s21, s11;
	[sflag:s14] =	ssyncset.done $0x0  }
.Ltmp4:
0xee: {  	[sflag:s14] =	ssyncadd.s32 $0xFFFFFE00;
	(pc) =	sbr.rel @p0 .LBB2_2-.Ltmp4, $4  }
0xef: {  	[hbm4b:s9+s12] =	stream.strided.scatter [tilespmem:s20], [sflag:$0x1], $0x200, s13, s12, $0x38;
	[tilespmem:$0x8800] =	vst v63  }
0xf0: {  	_ =	swait.ge [sflag:s14], $0x200  }
0xf1: {  	[sflag:s14] =	ssyncset.done $0x0  }
0xf2: {  	[sflag:s14] =	ssyncadd.s32 $0xFFFFFE00  }
.LBB2_9:
0xf3: {  	_ =	sfence.sel $0x180000  }
0xf4: {  	[bflag:$0x0] =	sbarrier.arrive $0xFFFF  }
0xf5: {  	_ =	strace $0x90000047  }
0xf6: {  	s0 =	stileid.u32;
	[bflag:$0x2] =	sbarrier.arrive $0xFFFF  }
0xf7: {  	p0 =	sne.s32 s0, $0x0;
	s0 =	rddreg [dreg:$0x3]  }
0xf8: {  	s0 =	sadd.s32 @!p0 $0x100000, s0  }
0xf9: {  	[sflag:s0] =	ssyncadd.tile.s32 @!p0 $0x1;
	_ =	shalt  }
.Lfunc_end2:
_tile_overlayer_lowered:
.L_overlay_start_2:
0xfa: {  	(tag) =	ssettag $0x2  }
0xfb: {  	s0 =	rddreg [dreg:$0x0];
	s2 =	stileid.u32  }
0xfc: {  	s1 =	rddreg [dreg:$0x1];
	p0 =	sne.s32 s2, $0x0  }
0xfd: {  	s3 =	rddreg [dreg:$0x2];
	[bflag:$0x3] =	sbarrier.arrive $0xFFFF;
	s2 =	simm.s32 @!p0 $0x1C01  }
0xfe: {  	[timem:s3], [sflag:s2] =	dma.local @!p0 [hbm:s0], s1  }
0xff: {  	s0 =	simm.s32 @!p0 $0x1  }
0x100: {  	_ =	swait.ge @!p0 [sflag:s0], s1  }
0x101: {  	s1 =	ssub.s32 @!p0 $0x0, s1;
	[sflag:s0] =	ssyncset.done @!p0 $0x0  }
0x102: {  	[sflag:s0] =	ssyncadd.s32 @!p0 s1  }
0x103: {  	[bflag:$0x3] =	sbarrier.arrive $0xFFFF  }
0x104: {  	_ =	shalt  }

</sc_bundles>
